<compile_context>
chip_gen: v7x
topology: tpu7x:2x2x1
jax: 0.10.2.dev20260603
libtpu: 0.0.44.dev20260713+nightly
codegen_flags: <defaults>
</compile_context>

<pallas_src>
import functools

import jax
import jax.numpy as jnp
import numpy as np
from jax import lax
from jax.experimental import pallas as pl
from jax.experimental.pallas import tpu as pltpu
from jax.experimental.pallas import tpu_sc as plsc

B = 4096
ND = 13
NS = 26
V = 100000
E = 128
NF = NS + 1
P = 32
H0 = 1024

NW = 32
NSPLIT = 2
NB = B // NSPLIT
SPW = NB // NW


@functools.cache
def _make_sc_gather():
    mesh = plsc.VectorSubcoreMesh(core_axis_name="c", subcore_axis_name="s")

    @functools.partial(
        pl.kernel,
        mesh=mesh,
        out_type=jax.ShapeDtypeStruct((NB, P, E), jnp.float32),
        scratch_types=[
            pltpu.VMEM((NS, SPW), jnp.int32),
            pltpu.VMEM((SPW, E), jnp.float32),
            pltpu.VMEM((SPW, E), jnp.float32),
            pltpu.VMEM((SPW, E), jnp.float32),
            pltpu.VMEM((SPW, E), jnp.float32),
            pltpu.SemaphoreType.DMA,
            pltpu.SemaphoreType.DMA,
            pltpu.SemaphoreType.DMA,
            pltpu.SemaphoreType.DMA,
            pltpu.SemaphoreType.DMA,
            pltpu.SemaphoreType.DMA,
            pltpu.SemaphoreType.DMA,
            pltpu.SemaphoreType.DMA,
        ],
    )
    def _sc_gather(emb_hbm, idx_hbm, out_hbm, idx_v,
                   ra, rb, rc, rd, ga, gb, gc, gd, wa, wb, wc, wd):
        wid = lax.axis_index("s") * 2 + lax.axis_index("c")
        b0 = wid * SPW
        pltpu.sync_copy(idx_hbm.at[wid], idx_v)

        def gath(s, buf, sem):
            return pltpu.async_copy(emb_hbm.at[idx_v.at[s]], buf, sem)

        def wr(s, buf, sem):
            return pltpu.async_copy(buf, out_hbm.at[pl.ds(b0, SPW), s], sem)

        def body(q, carry):
            s0 = 4 * q
            ha = gath(s0, ra, ga)
            hb = gath(s0 + 1, rb, gb)
            ha.wait()
            ka = wr(s0, ra, wa)
            hc = gath(s0 + 2, rc, gc)
            hb.wait()
            kb = wr(s0 + 1, rb, wb)
            hd = gath(s0 + 3, rd, gd)
            hc.wait()
            kc = wr(s0 + 2, rc, wc)
            hd.wait()
            kd = wr(s0 + 3, rd, wd)
            ka.wait()
            kb.wait()
            kc.wait()
            kd.wait()
            return carry

        lax.fori_loop(0, NS // 4, body, 0)
        ha = gath(NS - 2, ra, ga)
        hb = gath(NS - 1, rb, gb)
        ha.wait()
        ka = wr(NS - 2, ra, wa)
        hb.wait()
        kb = wr(NS - 1, rb, wb)
        ka.wait()
        kb.wait()

    return _sc_gather


BB = 512
_IU0, _IU1 = np.triu_indices(NF)
NPAIR = _IU0.shape[0]
NPAD = 384

_SLOT = np.concatenate([[P - 1], np.arange(NS)])
_S0, _S1 = _SLOT[_IU0], _SLOT[_IU1]
_SEL_NP = np.zeros((P * P, NPAD), np.float32)
_SEL_NP[_S0 * P + _S1, np.arange(NPAIR)] += 0.5
_SEL_NP[_S1 * P + _S0, np.arange(NPAIR)] += 0.5


def _bot_body(x_ref, wb0, bb0, wb1, bb1, wb2, bb2, o_ref):
    f32 = jnp.float32
    dense = x_ref[:, :ND]
    h = jnp.maximum(jnp.dot(dense, wb0[:], preferred_element_type=f32) + bb0[:], 0.0)
    h = jnp.maximum(jnp.dot(h, wb1[:], preferred_element_type=f32) + bb1[:], 0.0)
    o_ref[:, :] = jnp.maximum(
        jnp.dot(h, wb2[:], preferred_element_type=f32) + bb2[:], 0.0)


def _bot_forward(x, wb0, bb0, wb1, bb1, wb2, bb2):
    nblk = B // BB
    consts = [wb0, bb0, wb1, bb1, wb2, bb2]
    in_specs = [pl.BlockSpec((BB, ND + NS), lambda i: (i, 0))] + [
        _const_spec(c.shape) for c in consts]
    return pl.pallas_call(
        _bot_body,
        grid=(nblk,),
        in_specs=in_specs,
        out_specs=pl.BlockSpec((BB, E), lambda i: (i, 0)),
        out_shape=jax.ShapeDtypeStruct((B, E), jnp.float32),
        compiler_params=pltpu.CompilerParams(
            dimension_semantics=("arbitrary",)),
    )(x, *consts)


def _tc_body(bot_ref, eb_ref,
             w0a, sel, w0p, bt0, wt1, bt1, wt2, bt2, wt3, bt3, wt4, bt4, o_ref):
    f32 = jnp.float32
    bot = bot_ref[:]
    l = lax.broadcasted_iota(jnp.int32, (BB, P, E), 1)
    feats = jnp.where(l == P - 1, bot[:, None, :],
                      jnp.where(l <= NS - 1, eb_ref[:], 0.0))
    gram = lax.dot_general(feats, feats, (((2,), (2,)), ((0,), (0,))),
                           preferred_element_type=f32)
    gflat = gram.reshape(BB, P * P)
    acts = jnp.dot(gflat, sel[:], preferred_element_type=f32)
    h = jnp.dot(bot, w0a[:], preferred_element_type=f32)
    h = h + jnp.dot(acts, w0p[:], preferred_element_type=f32)
    h = jnp.maximum(h + bt0[:], 0.0)
    h = jnp.maximum(jnp.dot(h, wt1[:], preferred_element_type=f32) + bt1[:], 0.0)
    h = jnp.maximum(jnp.dot(h, wt2[:], preferred_element_type=f32) + bt2[:], 0.0)
    h = jnp.maximum(jnp.dot(h, wt3[:], preferred_element_type=f32) + bt3[:], 0.0)
    o_ref[:, :] = jnp.dot(h, wt4[:], preferred_element_type=f32) + bt4[:]


def _const_spec(shape):
    nd = len(shape)
    return pl.BlockSpec(shape, lambda i: (0,) * nd)


def _tc_forward(bot, embed, split,
                w0a, sel, w0p, bt0, wt1, bt1, wt2, bt2, wt3, bt3, wt4, bt4):
    nblk = NB // BB
    boff = split * nblk
    consts = [w0a, sel, w0p, bt0,
              wt1, bt1, wt2, bt2, wt3, bt3, wt4, bt4]
    in_specs = [
        pl.BlockSpec((BB, E), lambda i: (i + boff, 0)),
        pl.BlockSpec((BB, P, E), lambda i: (i, 0, 0)),
    ] + [_const_spec(c.shape) for c in consts]
    return pl.pallas_call(
        _tc_body,
        grid=(nblk,),
        in_specs=in_specs,
        out_specs=pl.BlockSpec((BB, 1), lambda i: (i, 0)),
        out_shape=jax.ShapeDtypeStruct((NB, 1), jnp.float32),
        compiler_params=pltpu.CompilerParams(
            dimension_semantics=("arbitrary",)),
    )(bot, embed, *consts)


def kernel(x, emb, Wb0, bb0, Wb1, bb1, Wb2, bb2,
           Wt0, bt0, Wt1, bt1, Wt2, bt2, Wt3, bt3, Wt4, bt4):
    cat = x[:, ND:].astype(jnp.int32)
    offs = (jnp.arange(NS, dtype=jnp.int32) * V)[None, None, :]
    idx = (cat.reshape(NSPLIT, NW, SPW, NS) + offs).transpose(0, 1, 3, 2)

    sel = jnp.asarray(_SEL_NP)
    w0p = jnp.concatenate(
        [Wt0[E:], jnp.zeros((NPAD - NPAIR, H0), jnp.float32)], axis=0)
    w0a = Wt0[:E]

    gather = _make_sc_gather()
    bot = _bot_forward(x, Wb0, bb0.reshape(1, -1), Wb1, bb1.reshape(1, -1),
                       Wb2, bb2.reshape(1, -1))
    outs = []
    for k in range(NSPLIT):
        embed = gather(emb, idx[k])
        outs.append(_tc_forward(
            bot, embed, k,
            w0a, sel, w0p, bt0.reshape(1, -1),
            Wt1, bt1.reshape(1, -1), Wt2, bt2.reshape(1, -1),
            Wt3, bt3.reshape(1, -1), Wt4, bt4.reshape(1, -1)))
    return jnp.concatenate(outs, axis=0)

# --- scband reference (transcript-rebuilt; emitter-appended) ---
"""Pipeline reference for scband-dlrm-small-11708080849089 (READ-ONLY COPY).

The authoritative reference and input builder live on the scoring server;
editing this copy changes nothing except your own understanding.
"""

import jax, jax.numpy as jnp
import numpy as np

B = 4096
ND = 13
NS = 26
V = 100000
E = 128
BOT = (512, 256, 128)
TOP = (1024, 1024, 512, 256, 1)


def setup_inputs(seed: int = 0) -> dict:
    key = jax.random.key(seed)
    ks = jax.random.split(key, 20)
    dense = jax.random.uniform(ks[0], (B, ND), dtype=jnp.float32)
    sparse = jax.random.randint(ks[1], (B, NS), 0, V).astype(jnp.float32)
    x = jnp.concatenate([dense, sparse], axis=1)
    emb = jax.random.uniform(ks[2], (NS * V, E), dtype=jnp.float32) * np.float32(1.0 / np.sqrt(V))
    inp = {"x": x, "emb": emb}
    dims = [ND] + list(BOT)
    for i in range(3):
        fi, fo = dims[i], dims[i + 1]
        lim = float(np.sqrt(6.0 / (fi + fo)))
        inp[f"Wb{i}"] = jax.random.uniform(ks[3 + i], (fi, fo), minval=-lim, maxval=lim, dtype=jnp.float32)
        inp[f"bb{i}"] = jax.random.normal(ks[6 + i], (fo,), dtype=jnp.float32) * np.float32(np.sqrt(1.0 / fo))
    tin = (NS + 1) * (NS + 2) // 2 + E
    tdims = [tin] + list(TOP)
    for i in range(5):
        fi, fo = tdims[i], tdims[i + 1]
        inp[f"Wt{i}"] = jax.random.normal(ks[9 + i], (fi, fo), dtype=jnp.float32) * np.float32(np.sqrt(2.0 / (fi + fo)))
        inp[f"bt{i}"] = jax.random.normal(ks[14 + i], (fo,), dtype=jnp.float32) * np.float32(np.sqrt(1.0 / fo))
    return inp


def reference(x, emb, Wb0, bb0, Wb1, bb1, Wb2, bb2, Wt0, bt0, Wt1, bt1, Wt2, bt2, Wt3, bt3, Wt4, bt4):
    dense = x[:, :ND]
    cat = x[:, ND:].astype(jnp.int32)
    h = dense
    for W, b in ((Wb0, bb0), (Wb1, bb1), (Wb2, bb2)):
        h = jax.nn.relu(h @ W + b)
    bot = h
    bs = bot.shape[0]
    feature_stack = bot.reshape(bs, -1, E)
    idx_offsets = jnp.arange(NS, dtype=jnp.int32) * V
    idx_lookup = (cat + idx_offsets[None, :]).reshape(-1)
    embed_features = jnp.take(emb, idx_lookup, axis=0).reshape(bs, -1, E)
    feature_stack = jnp.concatenate([feature_stack, embed_features], axis=1)
    xactions = jnp.matmul(feature_stack, jnp.transpose(feature_stack, (0, 2, 1)))
    n = xactions.shape[-1]
    iu0, iu1 = jnp.triu_indices(n)
    activations = xactions[:, iu0, iu1]
    top_in = jnp.concatenate([bot, activations], axis=-1)
    layers = ((Wt0, bt0), (Wt1, bt1), (Wt2, bt2), (Wt3, bt3), (Wt4, bt4))
    h = top_in
    for i, (W, b) in enumerate(layers):
        h = h @ W + b
        if i < len(layers) - 1:
            h = jax.nn.relu(h)
    return h

if __name__ == "__main__":
    import jax
    _d = setup_inputs()
    print(jax.jit(kernel)(*tuple(_d.values())))

</pallas_src>

<mosaic_0001>
#map = affine_map<(d0, d1) -> (0, 0)>
#map1 = affine_map<(d0, d1) -> (0, 0, 0)>
module attributes {stable_mosaic.version = 14 : i64} {
  func.func @_sc_gather(%arg0: i32, %arg1: i32, %arg2: memref<2600000x128xf32, #tpu.memory_space<hbm>>, %arg3: memref<32x26x64xi32, #tpu.memory_space<hbm>>, %arg4: memref<2048x32x128xf32, #tpu.memory_space<hbm>>, %arg5: memref<26x64xi32, #tpu.memory_space<vmem>>, %arg6: memref<64x128xf32, #tpu.memory_space<vmem>>, %arg7: memref<64x128xf32, #tpu.memory_space<vmem>>, %arg8: memref<64x128xf32, #tpu.memory_space<vmem>>, %arg9: memref<64x128xf32, #tpu.memory_space<vmem>>, %arg10: memref<!tpu.dma_semaphore, #tpu.memory_space<semaphore_mem>>, %arg11: memref<!tpu.dma_semaphore, #tpu.memory_space<semaphore_mem>>, %arg12: memref<!tpu.dma_semaphore, #tpu.memory_space<semaphore_mem>>, %arg13: memref<!tpu.dma_semaphore, #tpu.memory_space<semaphore_mem>>, %arg14: memref<!tpu.dma_semaphore, #tpu.memory_space<semaphore_mem>>, %arg15: memref<!tpu.dma_semaphore, #tpu.memory_space<semaphore_mem>>, %arg16: memref<!tpu.dma_semaphore, #tpu.memory_space<semaphore_mem>>, %arg17: memref<!tpu.dma_semaphore, #tpu.memory_space<semaphore_mem>>) attributes {dimension_semantics = [#tpu.dimension_semantics<core_parallel>, #tpu.dimension_semantics<subcore_parallel>], iteration_bounds = array<i64: 2, 16>, scalar_prefetch = 0 : i64, scratch_operands = 13 : i64, tpu.core_type = #tpu.core_type<sc_vector_subcore>, window_params = [{transform_indices = #map}, {transform_indices = #map1}, {transform_indices = #map1}]} {
    %mul3A = arith.constant 2 : i32
    %mul3A_0 = arith.muli %arg1, %mul3A : i32
    %add3A = arith.addi %mul3A_0, %arg0 : i32
    %mul3A_1 = arith.constant 64 : i32
    %mul3A_2 = arith.muli %add3A, %mul3A_1 : i32
    "tpu.region"() ({
      %run_scoped3A = tpu.sem_alloc : memref<!tpu.dma_semaphore, #tpu.memory_space<semaphore_mem>>
      %dma_start3A_62 = arith.constant 0 : i32
      %dma_start3A_63 = arith.constant 0 : i32
      %dma_start3A_64 = tpu.memref_slice %arg3[%add3A, %dma_start3A_62, %dma_start3A_63] : memref<32x26x64xi32, #tpu.memory_space<hbm>> -> memref<1x26x64xi32, #tpu.memory_space<hbm>>
      %dma_start3A_65 = tpu.memref_squeeze %dma_start3A_64 : memref<1x26x64xi32, #tpu.memory_space<hbm>> -> memref<26x64xi32, #tpu.memory_space<hbm>>
      %dma_start3A_66 = arith.constant 0 : i32
      %dma_start3A_67 = arith.constant 0 : i32
      %dma_start3A_68 = tpu.memref_slice %arg3[%add3A, %dma_start3A_66, %dma_start3A_67] : memref<32x26x64xi32, #tpu.memory_space<hbm>> -> memref<1x26x64xi32, #tpu.memory_space<hbm>>
      %dma_start3A_69 = tpu.memref_squeeze %dma_start3A_68 : memref<1x26x64xi32, #tpu.memory_space<hbm>> -> memref<26x64xi32, #tpu.memory_space<hbm>>
      tpu.enqueue_dma source(%dma_start3A_69 : memref<26x64xi32, #tpu.memory_space<hbm>>) target(%arg5 : memref<26x64xi32, #tpu.memory_space<vmem>>) target_semaphore(%run_scoped3A : memref<!tpu.dma_semaphore, #tpu.memory_space<semaphore_mem>>)
      %dma_wait3A_70 = arith.constant 0 : i32
      %dma_wait3A_71 = arith.constant 0 : i32
      %dma_wait3A_72 = tpu.memref_slice %arg3[%add3A, %dma_wait3A_70, %dma_wait3A_71] : memref<32x26x64xi32, #tpu.memory_space<hbm>> -> memref<1x26x64xi32, #tpu.memory_space<hbm>>
      %dma_wait3A_73 = tpu.memref_squeeze %dma_wait3A_72 : memref<1x26x64xi32, #tpu.memory_space<hbm>> -> memref<26x64xi32, #tpu.memory_space<hbm>>
      %dma_wait3A_74 = arith.constant 0 : i32
      %dma_wait3A_75 = arith.constant 0 : i32
      %dma_wait3A_76 = tpu.memref_slice %arg3[%add3A, %dma_wait3A_74, %dma_wait3A_75] : memref<32x26x64xi32, #tpu.memory_space<hbm>> -> memref<1x26x64xi32, #tpu.memory_space<hbm>>
      %dma_wait3A_77 = tpu.memref_squeeze %dma_wait3A_76 : memref<1x26x64xi32, #tpu.memory_space<hbm>> -> memref<26x64xi32, #tpu.memory_space<hbm>>
      tpu.wait_dma2 semaphore(%run_scoped3A : memref<!tpu.dma_semaphore, #tpu.memory_space<semaphore_mem>>) src(%dma_wait3A_77 : memref<26x64xi32, #tpu.memory_space<hbm>>) dst(%arg5 : memref<26x64xi32, #tpu.memory_space<vmem>>)
      tpu.yield
    }) : () -> ()
    %scan3A = arith.constant 0 : i32
    %scan3A_3 = arith.constant 0 : i32
    %scan3A_4 = arith.constant 6 : i32
    %scan3A_5 = arith.addi %scan3A_3, %scan3A_4 : i32
    %scan3A_6 = arith.constant 1 : i32
    scf.for %scan3A_62 = %scan3A_3 to %scan3A_5 step %scan3A_6  : i32 {
      %mul3A_63 = arith.constant 4 : i32
      %mul3A_64 = arith.muli %mul3A_63, %scan3A_62 : i32
      %dma_start3A_65 = arith.constant 0 : i32
      %dma_start3A_66 = tpu.memref_slice %arg5[%mul3A_64, %dma_start3A_65] : memref<26x64xi32, #tpu.memory_space<vmem>> -> memref<1x64xi32, #tpu.memory_space<vmem>>
      %dma_start3A_67 = tpu.memref_squeeze %dma_start3A_66 : memref<1x64xi32, #tpu.memory_space<vmem>> -> memref<64xi32, #tpu.memory_space<vmem>>
      %dma_start3A_68 = arith.constant 0 : i32
      %dma_start3A_69 = arith.constant 0 : i32
      %dma_start3A_70 = tpu.memref_slice %arg2[%dma_start3A_68, %dma_start3A_69] : memref<2600000x128xf32, #tpu.memory_space<hbm>> -> memref<2600000x128xf32, #tpu.memory_space<hbm>>
      tpu.enqueue_indirect_dma source(%dma_start3A_70 : memref<2600000x128xf32, #tpu.memory_space<hbm>>) target(%arg6 : memref<64x128xf32, #tpu.memory_space<vmem>>) offsets(%dma_start3A_67 : memref<64xi32, #tpu.memory_space<vmem>>) semaphore(%arg10 : memref<!tpu.dma_semaphore, #tpu.memory_space<semaphore_mem>>)
      %add3A_71 = arith.constant 1 : i32
      %add3A_72 = arith.addi %mul3A_64, %add3A_71 : i32
      %dma_start3A_73 = arith.constant 0 : i32
      %dma_start3A_74 = tpu.memref_slice %arg5[%add3A_72, %dma_start3A_73] : memref<26x64xi32, #tpu.memory_space<vmem>> -> memref<1x64xi32, #tpu.memory_space<vmem>>
      %dma_start3A_75 = tpu.memref_squeeze %dma_start3A_74 : memref<1x64xi32, #tpu.memory_space<vmem>> -> memref<64xi32, #tpu.memory_space<vmem>>
      %dma_start3A_76 = arith.constant 0 : i32
      %dma_start3A_77 = arith.constant 0 : i32
      %dma_start3A_78 = tpu.memref_slice %arg2[%dma_start3A_76, %dma_start3A_77] : memref<2600000x128xf32, #tpu.memory_space<hbm>> -> memref<2600000x128xf32, #tpu.memory_space<hbm>>
      tpu.enqueue_indirect_dma source(%dma_start3A_78 : memref<2600000x128xf32, #tpu.memory_space<hbm>>) target(%arg7 : memref<64x128xf32, #tpu.memory_space<vmem>>) offsets(%dma_start3A_75 : memref<64xi32, #tpu.memory_space<vmem>>) semaphore(%arg11 : memref<!tpu.dma_semaphore, #tpu.memory_space<semaphore_mem>>)
      %dma_wait3A_79 = arith.constant 0 : i32
      %dma_wait3A_80 = tpu.memref_slice %arg5[%mul3A_64, %dma_wait3A_79] : memref<26x64xi32, #tpu.memory_space<vmem>> -> memref<1x64xi32, #tpu.memory_space<vmem>>
      %dma_wait3A_81 = tpu.memref_squeeze %dma_wait3A_80 : memref<1x64xi32, #tpu.memory_space<vmem>> -> memref<64xi32, #tpu.memory_space<vmem>>
      %dma_wait3A_82 = arith.constant 0 : i32
      %dma_wait3A_83 = arith.constant 0 : i32
      %dma_wait3A_84 = tpu.memref_slice %arg2[%dma_wait3A_82, %dma_wait3A_83] : memref<2600000x128xf32, #tpu.memory_space<hbm>> -> memref<2600000x128xf32, #tpu.memory_space<hbm>>
      tpu.wait_indirect_dma semaphore(%arg10 : memref<!tpu.dma_semaphore, #tpu.memory_space<semaphore_mem>>) src(%dma_wait3A_84 : memref<2600000x128xf32, #tpu.memory_space<hbm>>) dst(%arg6 : memref<64x128xf32, #tpu.memory_space<vmem>>)
      %dma_start3A_85 = arith.constant 0 : i32
      %dma_start3A_86 = tpu.memref_slice %arg4[%mul3A_2, %mul3A_64, %dma_start3A_85] : memref<2048x32x128xf32, #tpu.memory_space<hbm>> -> memref<64x1x128xf32, #tpu.memory_space<hbm>>
      %dma_start3A_87 = tpu.memref_squeeze %dma_start3A_86 : memref<64x1x128xf32, #tpu.memory_space<hbm>> -> memref<64x128xf32, #tpu.memory_space<hbm>>
      %dma_start3A_88 = arith.constant 0 : i32
      %dma_start3A_89 = tpu.memref_slice %arg4[%mul3A_2, %mul3A_64, %dma_start3A_88] : memref<2048x32x128xf32, #tpu.memory_space<hbm>> -> memref<64x1x128xf32, #tpu.memory_space<hbm>>
      %dma_start3A_90 = tpu.memref_squeeze %dma_start3A_89 : memref<64x1x128xf32, #tpu.memory_space<hbm>> -> memref<64x128xf32, #tpu.memory_space<hbm>>
      tpu.enqueue_dma source(%arg6 : memref<64x128xf32, #tpu.memory_space<vmem>>) target(%dma_start3A_90 : memref<64x128xf32, #tpu.memory_space<hbm>>) target_semaphore(%arg14 : memref<!tpu.dma_semaphore, #tpu.memory_space<semaphore_mem>>)
      %add3A_91 = arith.constant 2 : i32
      %add3A_92 = arith.addi %mul3A_64, %add3A_91 : i32
      %dma_start3A_93 = arith.constant 0 : i32
      %dma_start3A_94 = tpu.memref_slice %arg5[%add3A_92, %dma_start3A_93] : memref<26x64xi32, #tpu.memory_space<vmem>> -> memref<1x64xi32, #tpu.memory_space<vmem>>
      %dma_start3A_95 = tpu.memref_squeeze %dma_start3A_94 : memref<1x64xi32, #tpu.memory_space<vmem>> -> memref<64xi32, #tpu.memory_space<vmem>>
      %dma_start3A_96 = arith.constant 0 : i32
      %dma_start3A_97 = arith.constant 0 : i32
      %dma_start3A_98 = tpu.memref_slice %arg2[%dma_start3A_96, %dma_start3A_97] : memref<2600000x128xf32, #tpu.memory_space<hbm>> -> memref<2600000x128xf32, #tpu.memory_space<hbm>>
      tpu.enqueue_indirect_dma source(%dma_start3A_98 : memref<2600000x128xf32, #tpu.memory_space<hbm>>) target(%arg8 : memref<64x128xf32, #tpu.memory_space<vmem>>) offsets(%dma_start3A_95 : memref<64xi32, #tpu.memory_space<vmem>>) semaphore(%arg12 : memref<!tpu.dma_semaphore, #tpu.memory_space<semaphore_mem>>)
      %dma_wait3A_99 = arith.constant 0 : i32
      %dma_wait3A_100 = tpu.memref_slice %arg5[%add3A_72, %dma_wait3A_99] : memref<26x64xi32, #tpu.memory_space<vmem>> -> memref<1x64xi32, #tpu.memory_space<vmem>>
      %dma_wait3A_101 = tpu.memref_squeeze %dma_wait3A_100 : memref<1x64xi32, #tpu.memory_space<vmem>> -> memref<64xi32, #tpu.memory_space<vmem>>
      %dma_wait3A_102 = arith.constant 0 : i32
      %dma_wait3A_103 = arith.constant 0 : i32
      %dma_wait3A_104 = tpu.memref_slice %arg2[%dma_wait3A_102, %dma_wait3A_103] : memref<2600000x128xf32, #tpu.memory_space<hbm>> -> memref<2600000x128xf32, #tpu.memory_space<hbm>>
      tpu.wait_indirect_dma semaphore(%arg11 : memref<!tpu.dma_semaphore, #tpu.memory_space<semaphore_mem>>) src(%dma_wait3A_104 : memref<2600000x128xf32, #tpu.memory_space<hbm>>) dst(%arg7 : memref<64x128xf32, #tpu.memory_space<vmem>>)
      %add3A_105 = arith.constant 1 : i32
      %add3A_106 = arith.addi %mul3A_64, %add3A_105 : i32
      %dma_start3A_107 = arith.constant 0 : i32
      %dma_start3A_108 = tpu.memref_slice %arg4[%mul3A_2, %add3A_106, %dma_start3A_107] : memref<2048x32x128xf32, #tpu.memory_space<hbm>> -> memref<64x1x128xf32, #tpu.memory_space<hbm>>
      %dma_start3A_109 = tpu.memref_squeeze %dma_start3A_108 : memref<64x1x128xf32, #tpu.memory_space<hbm>> -> memref<64x128xf32, #tpu.memory_space<hbm>>
      %dma_start3A_110 = arith.constant 0 : i32
      %dma_start3A_111 = tpu.memref_slice %arg4[%mul3A_2, %add3A_106, %dma_start3A_110] : memref<2048x32x128xf32, #tpu.memory_space<hbm>> -> memref<64x1x128xf32, #tpu.memory_space<hbm>>
      %dma_start3A_112 = tpu.memref_squeeze %dma_start3A_111 : memref<64x1x128xf32, #tpu.memory_space<hbm>> -> memref<64x128xf32, #tpu.memory_space<hbm>>
      tpu.enqueue_dma source(%arg7 : memref<64x128xf32, #tpu.memory_space<vmem>>) target(%dma_start3A_112 : memref<64x128xf32, #tpu.memory_space<hbm>>) target_semaphore(%arg15 : memref<!tpu.dma_semaphore, #tpu.memory_space<semaphore_mem>>)
      %add3A_113 = arith.constant 3 : i32
      %add3A_114 = arith.addi %mul3A_64, %add3A_113 : i32
      %dma_start3A_115 = arith.constant 0 : i32
      %dma_start3A_116 = tpu.memref_slice %arg5[%add3A_114, %dma_start3A_115] : memref<26x64xi32, #tpu.memory_space<vmem>> -> memref<1x64xi32, #tpu.memory_space<vmem>>
      %dma_start3A_117 = tpu.memref_squeeze %dma_start3A_116 : memref<1x64xi32, #tpu.memory_space<vmem>> -> memref<64xi32, #tpu.memory_space<vmem>>
      %dma_start3A_118 = arith.constant 0 : i32
      %dma_start3A_119 = arith.constant 0 : i32
      %dma_start3A_120 = tpu.memref_slice %arg2[%dma_start3A_118, %dma_start3A_119] : memref<2600000x128xf32, #tpu.memory_space<hbm>> -> memref<2600000x128xf32, #tpu.memory_space<hbm>>
      tpu.enqueue_indirect_dma source(%dma_start3A_120 : memref<2600000x128xf32, #tpu.memory_space<hbm>>) target(%arg9 : memref<64x128xf32, #tpu.memory_space<vmem>>) offsets(%dma_start3A_117 : memref<64xi32, #tpu.memory_space<vmem>>) semaphore(%arg13 : memref<!tpu.dma_semaphore, #tpu.memory_space<semaphore_mem>>)
      %dma_wait3A_121 = arith.constant 0 : i32
      %dma_wait3A_122 = tpu.memref_slice %arg5[%add3A_92, %dma_wait3A_121] : memref<26x64xi32, #tpu.memory_space<vmem>> -> memref<1x64xi32, #tpu.memory_space<vmem>>
      %dma_wait3A_123 = tpu.memref_squeeze %dma_wait3A_122 : memref<1x64xi32, #tpu.memory_space<vmem>> -> memref<64xi32, #tpu.memory_space<vmem>>
      %dma_wait3A_124 = arith.constant 0 : i32
      %dma_wait3A_125 = arith.constant 0 : i32
      %dma_wait3A_126 = tpu.memref_slice %arg2[%dma_wait3A_124, %dma_wait3A_125] : memref<2600000x128xf32, #tpu.memory_space<hbm>> -> memref<2600000x128xf32, #tpu.memory_space<hbm>>
      tpu.wait_indirect_dma semaphore(%arg12 : memref<!tpu.dma_semaphore, #tpu.memory_space<semaphore_mem>>) src(%dma_wait3A_126 : memref<2600000x128xf32, #tpu.memory_space<hbm>>) dst(%arg8 : memref<64x128xf32, #tpu.memory_space<vmem>>)
      %add3A_127 = arith.constant 2 : i32
      %add3A_128 = arith.addi %mul3A_64, %add3A_127 : i32
      %dma_start3A_129 = arith.constant 0 : i32
      %dma_start3A_130 = tpu.memref_slice %arg4[%mul3A_2, %add3A_128, %dma_start3A_129] : memref<2048x32x128xf32, #tpu.memory_space<hbm>> -> memref<64x1x128xf32, #tpu.memory_space<hbm>>
      %dma_start3A_131 = tpu.memref_squeeze %dma_start3A_130 : memref<64x1x128xf32, #tpu.memory_space<hbm>> -> memref<64x128xf32, #tpu.memory_space<hbm>>
      %dma_start3A_132 = arith.constant 0 : i32
      %dma_start3A_133 = tpu.memref_slice %arg4[%mul3A_2, %add3A_128, %dma_start3A_132] : memref<2048x32x128xf32, #tpu.memory_space<hbm>> -> memref<64x1x128xf32, #tpu.memory_space<hbm>>
      %dma_start3A_134 = tpu.memref_squeeze %dma_start3A_133 : memref<64x1x128xf32, #tpu.memory_space<hbm>> -> memref<64x128xf32, #tpu.memory_space<hbm>>
      tpu.enqueue_dma source(%arg8 : memref<64x128xf32, #tpu.memory_space<vmem>>) target(%dma_start3A_134 : memref<64x128xf32, #tpu.memory_space<hbm>>) target_semaphore(%arg16 : memref<!tpu.dma_semaphore, #tpu.memory_space<semaphore_mem>>)
      %dma_wait3A_135 = arith.constant 0 : i32
      %dma_wait3A_136 = tpu.memref_slice %arg5[%add3A_114, %dma_wait3A_135] : memref<26x64xi32, #tpu.memory_space<vmem>> -> memref<1x64xi32, #tpu.memory_space<vmem>>
      %dma_wait3A_137 = tpu.memref_squeeze %dma_wait3A_136 : memref<1x64xi32, #tpu.memory_space<vmem>> -> memref<64xi32, #tpu.memory_space<vmem>>
      %dma_wait3A_138 = arith.constant 0 : i32
      %dma_wait3A_139 = arith.constant 0 : i32
      %dma_wait3A_140 = tpu.memref_slice %arg2[%dma_wait3A_138, %dma_wait3A_139] : memref<2600000x128xf32, #tpu.memory_space<hbm>> -> memref<2600000x128xf32, #tpu.memory_space<hbm>>
      tpu.wait_indirect_dma semaphore(%arg13 : memref<!tpu.dma_semaphore, #tpu.memory_space<semaphore_mem>>) src(%dma_wait3A_140 : memref<2600000x128xf32, #tpu.memory_space<hbm>>) dst(%arg9 : memref<64x128xf32, #tpu.memory_space<vmem>>)
      %add3A_141 = arith.constant 3 : i32
      %add3A_142 = arith.addi %mul3A_64, %add3A_141 : i32
      %dma_start3A_143 = arith.constant 0 : i32
      %dma_start3A_144 = tpu.memref_slice %arg4[%mul3A_2, %add3A_142, %dma_start3A_143] : memref<2048x32x128xf32, #tpu.memory_space<hbm>> -> memref<64x1x128xf32, #tpu.memory_space<hbm>>
      %dma_start3A_145 = tpu.memref_squeeze %dma_start3A_144 : memref<64x1x128xf32, #tpu.memory_space<hbm>> -> memref<64x128xf32, #tpu.memory_space<hbm>>
      %dma_start3A_146 = arith.constant 0 : i32
      %dma_start3A_147 = tpu.memref_slice %arg4[%mul3A_2, %add3A_142, %dma_start3A_146] : memref<2048x32x128xf32, #tpu.memory_space<hbm>> -> memref<64x1x128xf32, #tpu.memory_space<hbm>>
      %dma_start3A_148 = tpu.memref_squeeze %dma_start3A_147 : memref<64x1x128xf32, #tpu.memory_space<hbm>> -> memref<64x128xf32, #tpu.memory_space<hbm>>
      tpu.enqueue_dma source(%arg9 : memref<64x128xf32, #tpu.memory_space<vmem>>) target(%dma_start3A_148 : memref<64x128xf32, #tpu.memory_space<hbm>>) target_semaphore(%arg17 : memref<!tpu.dma_semaphore, #tpu.memory_space<semaphore_mem>>)
      %dma_wait3A_149 = arith.constant 0 : i32
      %dma_wait3A_150 = tpu.memref_slice %arg4[%mul3A_2, %mul3A_64, %dma_wait3A_149] : memref<2048x32x128xf32, #tpu.memory_space<hbm>> -> memref<64x1x128xf32, #tpu.memory_space<hbm>>
      %dma_wait3A_151 = tpu.memref_squeeze %dma_wait3A_150 : memref<64x1x128xf32, #tpu.memory_space<hbm>> -> memref<64x128xf32, #tpu.memory_space<hbm>>
      %dma_wait3A_152 = arith.constant 0 : i32
      %dma_wait3A_153 = tpu.memref_slice %arg4[%mul3A_2, %mul3A_64, %dma_wait3A_152] : memref<2048x32x128xf32, #tpu.memory_space<hbm>> -> memref<64x1x128xf32, #tpu.memory_space<hbm>>
      %dma_wait3A_154 = tpu.memref_squeeze %dma_wait3A_153 : memref<64x1x128xf32, #tpu.memory_space<hbm>> -> memref<64x128xf32, #tpu.memory_space<hbm>>
      tpu.wait_dma2 semaphore(%arg14 : memref<!tpu.dma_semaphore, #tpu.memory_space<semaphore_mem>>) src(%arg6 : memref<64x128xf32, #tpu.memory_space<vmem>>) dst(%dma_wait3A_154 : memref<64x128xf32, #tpu.memory_space<hbm>>)
      %dma_wait3A_155 = arith.constant 0 : i32
      %dma_wait3A_156 = tpu.memref_slice %arg4[%mul3A_2, %add3A_106, %dma_wait3A_155] : memref<2048x32x128xf32, #tpu.memory_space<hbm>> -> memref<64x1x128xf32, #tpu.memory_space<hbm>>
      %dma_wait3A_157 = tpu.memref_squeeze %dma_wait3A_156 : memref<64x1x128xf32, #tpu.memory_space<hbm>> -> memref<64x128xf32, #tpu.memory_space<hbm>>
      %dma_wait3A_158 = arith.constant 0 : i32
      %dma_wait3A_159 = tpu.memref_slice %arg4[%mul3A_2, %add3A_106, %dma_wait3A_158] : memref<2048x32x128xf32, #tpu.memory_space<hbm>> -> memref<64x1x128xf32, #tpu.memory_space<hbm>>
      %dma_wait3A_160 = tpu.memref_squeeze %dma_wait3A_159 : memref<64x1x128xf32, #tpu.memory_space<hbm>> -> memref<64x128xf32, #tpu.memory_space<hbm>>
      tpu.wait_dma2 semaphore(%arg15 : memref<!tpu.dma_semaphore, #tpu.memory_space<semaphore_mem>>) src(%arg7 : memref<64x128xf32, #tpu.memory_space<vmem>>) dst(%dma_wait3A_160 : memref<64x128xf32, #tpu.memory_space<hbm>>)
      %dma_wait3A_161 = arith.constant 0 : i32
      %dma_wait3A_162 = tpu.memref_slice %arg4[%mul3A_2, %add3A_128, %dma_wait3A_161] : memref<2048x32x128xf32, #tpu.memory_space<hbm>> -> memref<64x1x128xf32, #tpu.memory_space<hbm>>
      %dma_wait3A_163 = tpu.memref_squeeze %dma_wait3A_162 : memref<64x1x128xf32, #tpu.memory_space<hbm>> -> memref<64x128xf32, #tpu.memory_space<hbm>>
      %dma_wait3A_164 = arith.constant 0 : i32
      %dma_wait3A_165 = tpu.memref_slice %arg4[%mul3A_2, %add3A_128, %dma_wait3A_164] : memref<2048x32x128xf32, #tpu.memory_space<hbm>> -> memref<64x1x128xf32, #tpu.memory_space<hbm>>
      %dma_wait3A_166 = tpu.memref_squeeze %dma_wait3A_165 : memref<64x1x128xf32, #tpu.memory_space<hbm>> -> memref<64x128xf32, #tpu.memory_space<hbm>>
      tpu.wait_dma2 semaphore(%arg16 : memref<!tpu.dma_semaphore, #tpu.memory_space<semaphore_mem>>) src(%arg8 : memref<64x128xf32, #tpu.memory_space<vmem>>) dst(%dma_wait3A_166 : memref<64x128xf32, #tpu.memory_space<hbm>>)
      %dma_wait3A_167 = arith.constant 0 : i32
      %dma_wait3A_168 = tpu.memref_slice %arg4[%mul3A_2, %add3A_142, %dma_wait3A_167] : memref<2048x32x128xf32, #tpu.memory_space<hbm>> -> memref<64x1x128xf32, #tpu.memory_space<hbm>>
      %dma_wait3A_169 = tpu.memref_squeeze %dma_wait3A_168 : memref<64x1x128xf32, #tpu.memory_space<hbm>> -> memref<64x128xf32, #tpu.memory_space<hbm>>
      %dma_wait3A_170 = arith.constant 0 : i32
      %dma_wait3A_171 = tpu.memref_slice %arg4[%mul3A_2, %add3A_142, %dma_wait3A_170] : memref<2048x32x128xf32, #tpu.memory_space<hbm>> -> memref<64x1x128xf32, #tpu.memory_space<hbm>>
      %dma_wait3A_172 = tpu.memref_squeeze %dma_wait3A_171 : memref<64x1x128xf32, #tpu.memory_space<hbm>> -> memref<64x128xf32, #tpu.memory_space<hbm>>
      tpu.wait_dma2 semaphore(%arg17 : memref<!tpu.dma_semaphore, #tpu.memory_space<semaphore_mem>>) src(%arg9 : memref<64x128xf32, #tpu.memory_space<vmem>>) dst(%dma_wait3A_172 : memref<64x128xf32, #tpu.memory_space<hbm>>)
    }
    %scan3A_7 = arith.constant 6 : i32
    %dma_start3A = arith.constant 24 : i32
    %dma_start3A_8 = arith.constant 0 : i32
    %dma_start3A_9 = tpu.memref_slice %arg5[%dma_start3A, %dma_start3A_8] : memref<26x64xi32, #tpu.memory_space<vmem>> -> memref<1x64xi32, #tpu.memory_space<vmem>>
    %dma_start3A_10 = tpu.memref_squeeze %dma_start3A_9 : memref<1x64xi32, #tpu.memory_space<vmem>> -> memref<64xi32, #tpu.memory_space<vmem>>
    %dma_start3A_11 = arith.constant 0 : i32
    %dma_start3A_12 = arith.constant 0 : i32
    %dma_start3A_13 = tpu.memref_slice %arg2[%dma_start3A_11, %dma_start3A_12] : memref<2600000x128xf32, #tpu.memory_space<hbm>> -> memref<2600000x128xf32, #tpu.memory_space<hbm>>
    tpu.enqueue_indirect_dma source(%dma_start3A_13 : memref<2600000x128xf32, #tpu.memory_space<hbm>>) target(%arg6 : memref<64x128xf32, #tpu.memory_space<vmem>>) offsets(%dma_start3A_10 : memref<64xi32, #tpu.memory_space<vmem>>) semaphore(%arg10 : memref<!tpu.dma_semaphore, #tpu.memory_space<semaphore_mem>>)
    %dma_start3A_14 = arith.constant 25 : i32
    %dma_start3A_15 = arith.constant 0 : i32
    %dma_start3A_16 = tpu.memref_slice %arg5[%dma_start3A_14, %dma_start3A_15] : memref<26x64xi32, #tpu.memory_space<vmem>> -> memref<1x64xi32, #tpu.memory_space<vmem>>
    %dma_start3A_17 = tpu.memref_squeeze %dma_start3A_16 : memref<1x64xi32, #tpu.memory_space<vmem>> -> memref<64xi32, #tpu.memory_space<vmem>>
    %dma_start3A_18 = arith.constant 0 : i32
    %dma_start3A_19 = arith.constant 0 : i32
    %dma_start3A_20 = tpu.memref_slice %arg2[%dma_start3A_18, %dma_start3A_19] : memref<2600000x128xf32, #tpu.memory_space<hbm>> -> memref<2600000x128xf32, #tpu.memory_space<hbm>>
    tpu.enqueue_indirect_dma source(%dma_start3A_20 : memref<2600000x128xf32, #tpu.memory_space<hbm>>) target(%arg7 : memref<64x128xf32, #tpu.memory_space<vmem>>) offsets(%dma_start3A_17 : memref<64xi32, #tpu.memory_space<vmem>>) semaphore(%arg11 : memref<!tpu.dma_semaphore, #tpu.memory_space<semaphore_mem>>)
    %dma_wait3A = arith.constant 24 : i32
    %dma_wait3A_21 = arith.constant 0 : i32
    %dma_wait3A_22 = tpu.memref_slice %arg5[%dma_wait3A, %dma_wait3A_21] : memref<26x64xi32, #tpu.memory_space<vmem>> -> memref<1x64xi32, #tpu.memory_space<vmem>>
    %dma_wait3A_23 = tpu.memref_squeeze %dma_wait3A_22 : memref<1x64xi32, #tpu.memory_space<vmem>> -> memref<64xi32, #tpu.memory_space<vmem>>
    %dma_wait3A_24 = arith.constant 0 : i32
    %dma_wait3A_25 = arith.constant 0 : i32
    %dma_wait3A_26 = tpu.memref_slice %arg2[%dma_wait3A_24, %dma_wait3A_25] : memref<2600000x128xf32, #tpu.memory_space<hbm>> -> memref<2600000x128xf32, #tpu.memory_space<hbm>>
    tpu.wait_indirect_dma semaphore(%arg10 : memref<!tpu.dma_semaphore, #tpu.memory_space<semaphore_mem>>) src(%dma_wait3A_26 : memref<2600000x128xf32, #tpu.memory_space<hbm>>) dst(%arg6 : memref<64x128xf32, #tpu.memory_space<vmem>>)
    %dma_start3A_27 = arith.constant 24 : i32
    %dma_start3A_28 = arith.constant 0 : i32
    %dma_start3A_29 = tpu.memref_slice %arg4[%mul3A_2, %dma_start3A_27, %dma_start3A_28] : memref<2048x32x128xf32, #tpu.memory_space<hbm>> -> memref<64x1x128xf32, #tpu.memory_space<hbm>>
    %dma_start3A_30 = tpu.memref_squeeze %dma_start3A_29 : memref<64x1x128xf32, #tpu.memory_space<hbm>> -> memref<64x128xf32, #tpu.memory_space<hbm>>
    %dma_start3A_31 = arith.constant 0 : i32
    %dma_start3A_32 = tpu.memref_slice %arg4[%mul3A_2, %dma_start3A_27, %dma_start3A_31] : memref<2048x32x128xf32, #tpu.memory_space<hbm>> -> memref<64x1x128xf32, #tpu.memory_space<hbm>>
    %dma_start3A_33 = tpu.memref_squeeze %dma_start3A_32 : memref<64x1x128xf32, #tpu.memory_space<hbm>> -> memref<64x128xf32, #tpu.memory_space<hbm>>
    tpu.enqueue_dma source(%arg6 : memref<64x128xf32, #tpu.memory_space<vmem>>) target(%dma_start3A_33 : memref<64x128xf32, #tpu.memory_space<hbm>>) target_semaphore(%arg14 : memref<!tpu.dma_semaphore, #tpu.memory_space<semaphore_mem>>)
    %dma_wait3A_34 = arith.constant 25 : i32
    %dma_wait3A_35 = arith.constant 0 : i32
    %dma_wait3A_36 = tpu.memref_slice %arg5[%dma_wait3A_34, %dma_wait3A_35] : memref<26x64xi32, #tpu.memory_space<vmem>> -> memref<1x64xi32, #tpu.memory_space<vmem>>
    %dma_wait3A_37 = tpu.memref_squeeze %dma_wait3A_36 : memref<1x64xi32, #tpu.memory_space<vmem>> -> memref<64xi32, #tpu.memory_space<vmem>>
    %dma_wait3A_38 = arith.constant 0 : i32
    %dma_wait3A_39 = arith.constant 0 : i32
    %dma_wait3A_40 = tpu.memref_slice %arg2[%dma_wait3A_38, %dma_wait3A_39] : memref<2600000x128xf32, #tpu.memory_space<hbm>> -> memref<2600000x128xf32, #tpu.memory_space<hbm>>
    tpu.wait_indirect_dma semaphore(%arg11 : memref<!tpu.dma_semaphore, #tpu.memory_space<semaphore_mem>>) src(%dma_wait3A_40 : memref<2600000x128xf32, #tpu.memory_space<hbm>>) dst(%arg7 : memref<64x128xf32, #tpu.memory_space<vmem>>)
    %dma_start3A_41 = arith.constant 25 : i32
    %dma_start3A_42 = arith.constant 0 : i32
    %dma_start3A_43 = tpu.memref_slice %arg4[%mul3A_2, %dma_start3A_41, %dma_start3A_42] : memref<2048x32x128xf32, #tpu.memory_space<hbm>> -> memref<64x1x128xf32, #tpu.memory_space<hbm>>
    %dma_start3A_44 = tpu.memref_squeeze %dma_start3A_43 : memref<64x1x128xf32, #tpu.memory_space<hbm>> -> memref<64x128xf32, #tpu.memory_space<hbm>>
    %dma_start3A_45 = arith.constant 0 : i32
    %dma_start3A_46 = tpu.memref_slice %arg4[%mul3A_2, %dma_start3A_41, %dma_start3A_45] : memref<2048x32x128xf32, #tpu.memory_space<hbm>> -> memref<64x1x128xf32, #tpu.memory_space<hbm>>
    %dma_start3A_47 = tpu.memref_squeeze %dma_start3A_46 : memref<64x1x128xf32, #tpu.memory_space<hbm>> -> memref<64x128xf32, #tpu.memory_space<hbm>>
    tpu.enqueue_dma source(%arg7 : memref<64x128xf32, #tpu.memory_space<vmem>>) target(%dma_start3A_47 : memref<64x128xf32, #tpu.memory_space<hbm>>) target_semaphore(%arg15 : memref<!tpu.dma_semaphore, #tpu.memory_space<semaphore_mem>>)
    %dma_wait3A_48 = arith.constant 24 : i32
    %dma_wait3A_49 = arith.constant 0 : i32
    %dma_wait3A_50 = tpu.memref_slice %arg4[%mul3A_2, %dma_wait3A_48, %dma_wait3A_49] : memref<2048x32x128xf32, #tpu.memory_space<hbm>> -> memref<64x1x128xf32, #tpu.memory_space<hbm>>
    %dma_wait3A_51 = tpu.memref_squeeze %dma_wait3A_50 : memref<64x1x128xf32, #tpu.memory_space<hbm>> -> memref<64x128xf32, #tpu.memory_space<hbm>>
    %dma_wait3A_52 = arith.constant 0 : i32
    %dma_wait3A_53 = tpu.memref_slice %arg4[%mul3A_2, %dma_wait3A_48, %dma_wait3A_52] : memref<2048x32x128xf32, #tpu.memory_space<hbm>> -> memref<64x1x128xf32, #tpu.memory_space<hbm>>
    %dma_wait3A_54 = tpu.memref_squeeze %dma_wait3A_53 : memref<64x1x128xf32, #tpu.memory_space<hbm>> -> memref<64x128xf32, #tpu.memory_space<hbm>>
    tpu.wait_dma2 semaphore(%arg14 : memref<!tpu.dma_semaphore, #tpu.memory_space<semaphore_mem>>) src(%arg6 : memref<64x128xf32, #tpu.memory_space<vmem>>) dst(%dma_wait3A_54 : memref<64x128xf32, #tpu.memory_space<hbm>>)
    %dma_wait3A_55 = arith.constant 25 : i32
    %dma_wait3A_56 = arith.constant 0 : i32
    %dma_wait3A_57 = tpu.memref_slice %arg4[%mul3A_2, %dma_wait3A_55, %dma_wait3A_56] : memref<2048x32x128xf32, #tpu.memory_space<hbm>> -> memref<64x1x128xf32, #tpu.memory_space<hbm>>
    %dma_wait3A_58 = tpu.memref_squeeze %dma_wait3A_57 : memref<64x1x128xf32, #tpu.memory_space<hbm>> -> memref<64x128xf32, #tpu.memory_space<hbm>>
    %dma_wait3A_59 = arith.constant 0 : i32
    %dma_wait3A_60 = tpu.memref_slice %arg4[%mul3A_2, %dma_wait3A_55, %dma_wait3A_59] : memref<2048x32x128xf32, #tpu.memory_space<hbm>> -> memref<64x1x128xf32, #tpu.memory_space<hbm>>
    %dma_wait3A_61 = tpu.memref_squeeze %dma_wait3A_60 : memref<64x1x128xf32, #tpu.memory_space<hbm>> -> memref<64x128xf32, #tpu.memory_space<hbm>>
    tpu.wait_dma2 semaphore(%arg15 : memref<!tpu.dma_semaphore, #tpu.memory_space<semaphore_mem>>) src(%arg7 : memref<64x128xf32, #tpu.memory_space<vmem>>) dst(%dma_wait3A_61 : memref<64x128xf32, #tpu.memory_space<hbm>>)
    return
  }
}

#map = affine_map<(d0, d1) -> (0, 0)>
#map1 = affine_map<(d0, d1) -> (0, 0, 0)>
module attributes {stable_mosaic.version = 14 : i64} {
  func.func @_sc_gather(%arg0: i32, %arg1: i32, %arg2: memref<2600000x128xf32, #tpu.memory_space<hbm>>, %arg3: memref<32x26x64xi32, #tpu.memory_space<hbm>>, %arg4: memref<2048x32x128xf32, #tpu.memory_space<hbm>>, %arg5: memref<26x64xi32, #tpu.memory_space<vmem>>, %arg6: memref<64x128xf32, #tpu.memory_space<vmem>>, %arg7: memref<64x128xf32, #tpu.memory_space<vmem>>, %arg8: memref<64x128xf32, #tpu.memory_space<vmem>>, %arg9: memref<64x128xf32, #tpu.memory_space<vmem>>, %arg10: memref<!tpu.dma_semaphore, #tpu.memory_space<semaphore_mem>>, %arg11: memref<!tpu.dma_semaphore, #tpu.memory_space<semaphore_mem>>, %arg12: memref<!tpu.dma_semaphore, #tpu.memory_space<semaphore_mem>>, %arg13: memref<!tpu.dma_semaphore, #tpu.memory_space<semaphore_mem>>, %arg14: memref<!tpu.dma_semaphore, #tpu.memory_space<semaphore_mem>>, %arg15: memref<!tpu.dma_semaphore, #tpu.memory_space<semaphore_mem>>, %arg16: memref<!tpu.dma_semaphore, #tpu.memory_space<semaphore_mem>>, %arg17: memref<!tpu.dma_semaphore, #tpu.memory_space<semaphore_mem>>) attributes {dimension_semantics = [#tpu.dimension_semantics<core_parallel>, #tpu.dimension_semantics<subcore_parallel>], iteration_bounds = array<i64: 2, 16>, scalar_prefetch = 0 : i64, scratch_operands = 13 : i64, tpu.core_type = #tpu.core_type<sc_vector_subcore>, window_params = [{transform_indices = #map}, {transform_indices = #map1}, {transform_indices = #map1}]} {
    %mul3A = arith.constant 2 : i32
    %mul3A_0 = arith.muli %arg1, %mul3A : i32
    %add3A = arith.addi %mul3A_0, %arg0 : i32
    %mul3A_1 = arith.constant 64 : i32
    %mul3A_2 = arith.muli %add3A, %mul3A_1 : i32
    "tpu.region"() ({
      %run_scoped3A = tpu.sem_alloc : memref<!tpu.dma_semaphore, #tpu.memory_space<semaphore_mem>>
      %dma_start3A_62 = arith.constant 0 : i32
      %dma_start3A_63 = arith.constant 0 : i32
      %dma_start3A_64 = tpu.memref_slice %arg3[%add3A, %dma_start3A_62, %dma_start3A_63] : memref<32x26x64xi32, #tpu.memory_space<hbm>> -> memref<1x26x64xi32, #tpu.memory_space<hbm>>
      %dma_start3A_65 = tpu.memref_squeeze %dma_start3A_64 : memref<1x26x64xi32, #tpu.memory_space<hbm>> -> memref<26x64xi32, #tpu.memory_space<hbm>>
      %dma_start3A_66 = arith.constant 0 : i32
      %dma_start3A_67 = arith.constant 0 : i32
      %dma_start3A_68 = tpu.memref_slice %arg3[%add3A, %dma_start3A_66, %dma_start3A_67] : memref<32x26x64xi32, #tpu.memory_space<hbm>> -> memref<1x26x64xi32, #tpu.memory_space<hbm>>
      %dma_start3A_69 = tpu.memref_squeeze %dma_start3A_68 : memref<1x26x64xi32, #tpu.memory_space<hbm>> -> memref<26x64xi32, #tpu.memory_space<hbm>>
      tpu.enqueue_dma source(%dma_start3A_69 : memref<26x64xi32, #tpu.memory_space<hbm>>) target(%arg5 : memref<26x64xi32, #tpu.memory_space<vmem>>) target_semaphore(%run_scoped3A : memref<!tpu.dma_semaphore, #tpu.memory_space<semaphore_mem>>)
      %dma_wait3A_70 = arith.constant 0 : i32
      %dma_wait3A_71 = arith.constant 0 : i32
      %dma_wait3A_72 = tpu.memref_slice %arg3[%add3A, %dma_wait3A_70, %dma_wait3A_71] : memref<32x26x64xi32, #tpu.memory_space<hbm>> -> memref<1x26x64xi32, #tpu.memory_space<hbm>>
      %dma_wait3A_73 = tpu.memref_squeeze %dma_wait3A_72 : memref<1x26x64xi32, #tpu.memory_space<hbm>> -> memref<26x64xi32, #tpu.memory_space<hbm>>
      %dma_wait3A_74 = arith.constant 0 : i32
      %dma_wait3A_75 = arith.constant 0 : i32
      %dma_wait3A_76 = tpu.memref_slice %arg3[%add3A, %dma_wait3A_74, %dma_wait3A_75] : memref<32x26x64xi32, #tpu.memory_space<hbm>> -> memref<1x26x64xi32, #tpu.memory_space<hbm>>
      %dma_wait3A_77 = tpu.memref_squeeze %dma_wait3A_76 : memref<1x26x64xi32, #tpu.memory_space<hbm>> -> memref<26x64xi32, #tpu.memory_space<hbm>>
      tpu.wait_dma2 semaphore(%run_scoped3A : memref<!tpu.dma_semaphore, #tpu.memory_space<semaphore_mem>>) src(%dma_wait3A_77 : memref<26x64xi32, #tpu.memory_space<hbm>>) dst(%arg5 : memref<26x64xi32, #tpu.memory_space<vmem>>)
      tpu.yield
    }) : () -> ()
    %scan3A = arith.constant 0 : i32
    %scan3A_3 = arith.constant 0 : i32
    %scan3A_4 = arith.constant 6 : i32
    %scan3A_5 = arith.addi %scan3A_3, %scan3A_4 : i32
    %scan3A_6 = arith.constant 1 : i32
    scf.for %scan3A_62 = %scan3A_3 to %scan3A_5 step %scan3A_6  : i32 {
      %mul3A_63 = arith.constant 4 : i32
      %mul3A_64 = arith.muli %mul3A_63, %scan3A_62 : i32
      %dma_start3A_65 = arith.constant 0 : i32
      %dma_start3A_66 = tpu.memref_slice %arg5[%mul3A_64, %dma_start3A_65] : memref<26x64xi32, #tpu.memory_space<vmem>> -> memref<1x64xi32, #tpu.memory_space<vmem>>
      %dma_start3A_67 = tpu.memref_squeeze %dma_start3A_66 : memref<1x64xi32, #tpu.memory_space<vmem>> -> memref<64xi32, #tpu.memory_space<vmem>>
      %dma_start3A_68 = arith.constant 0 : i32
      %dma_start3A_69 = arith.constant 0 : i32
      %dma_start3A_70 = tpu.memref_slice %arg2[%dma_start3A_68, %dma_start3A_69] : memref<2600000x128xf32, #tpu.memory_space<hbm>> -> memref<2600000x128xf32, #tpu.memory_space<hbm>>
      tpu.enqueue_indirect_dma source(%dma_start3A_70 : memref<2600000x128xf32, #tpu.memory_space<hbm>>) target(%arg6 : memref<64x128xf32, #tpu.memory_space<vmem>>) offsets(%dma_start3A_67 : memref<64xi32, #tpu.memory_space<vmem>>) semaphore(%arg10 : memref<!tpu.dma_semaphore, #tpu.memory_space<semaphore_mem>>)
      %add3A_71 = arith.constant 1 : i32
      %add3A_72 = arith.addi %mul3A_64, %add3A_71 : i32
      %dma_start3A_73 = arith.constant 0 : i32
      %dma_start3A_74 = tpu.memref_slice %arg5[%add3A_72, %dma_start3A_73] : memref<26x64xi32, #tpu.memory_space<vmem>> -> memref<1x64xi32, #tpu.memory_space<vmem>>
      %dma_start3A_75 = tpu.memref_squeeze %dma_start3A_74 : memref<1x64xi32, #tpu.memory_space<vmem>> -> memref<64xi32, #tpu.memory_space<vmem>>
      %dma_start3A_76 = arith.constant 0 : i32
      %dma_start3A_77 = arith.constant 0 : i32
      %dma_start3A_78 = tpu.memref_slice %arg2[%dma_start3A_76, %dma_start3A_77] : memref<2600000x128xf32, #tpu.memory_space<hbm>> -> memref<2600000x128xf32, #tpu.memory_space<hbm>>
      tpu.enqueue_indirect_dma source(%dma_start3A_78 : memref<2600000x128xf32, #tpu.memory_space<hbm>>) target(%arg7 : memref<64x128xf32, #tpu.memory_space<vmem>>) offsets(%dma_start3A_75 : memref<64xi32, #tpu.memory_space<vmem>>) semaphore(%arg11 : memref<!tpu.dma_semaphore, #tpu.memory_space<semaphore_mem>>)
      %dma_wait3A_79 = arith.constant 0 : i32
      %dma_wait3A_80 = tpu.memref_slice %arg5[%mul3A_64, %dma_wait3A_79] : memref<26x64xi32, #tpu.memory_space<vmem>> -> memref<1x64xi32, #tpu.memory_space<vmem>>
      %dma_wait3A_81 = tpu.memref_squeeze %dma_wait3A_80 : memref<1x64xi32, #tpu.memory_space<vmem>> -> memref<64xi32, #tpu.memory_space<vmem>>
      %dma_wait3A_82 = arith.constant 0 : i32
      %dma_wait3A_83 = arith.constant 0 : i32
      %dma_wait3A_84 = tpu.memref_slice %arg2[%dma_wait3A_82, %dma_wait3A_83] : memref<2600000x128xf32, #tpu.memory_space<hbm>> -> memref<2600000x128xf32, #tpu.memory_space<hbm>>
      tpu.wait_indirect_dma semaphore(%arg10 : memref<!tpu.dma_semaphore, #tpu.memory_space<semaphore_mem>>) src(%dma_wait3A_84 : memref<2600000x128xf32, #tpu.memory_space<hbm>>) dst(%arg6 : memref<64x128xf32, #tpu.memory_space<vmem>>)
      %dma_start3A_85 = arith.constant 0 : i32
      %dma_start3A_86 = tpu.memref_slice %arg4[%mul3A_2, %mul3A_64, %dma_start3A_85] : memref<2048x32x128xf32, #tpu.memory_space<hbm>> -> memref<64x1x128xf32, #tpu.memory_space<hbm>>
      %dma_start3A_87 = tpu.memref_squeeze %dma_start3A_86 : memref<64x1x128xf32, #tpu.memory_space<hbm>> -> memref<64x128xf32, #tpu.memory_space<hbm>>
      %dma_start3A_88 = arith.constant 0 : i32
      %dma_start3A_89 = tpu.memref_slice %arg4[%mul3A_2, %mul3A_64, %dma_start3A_88] : memref<2048x32x128xf32, #tpu.memory_space<hbm>> -> memref<64x1x128xf32, #tpu.memory_space<hbm>>
      %dma_start3A_90 = tpu.memref_squeeze %dma_start3A_89 : memref<64x1x128xf32, #tpu.memory_space<hbm>> -> memref<64x128xf32, #tpu.memory_space<hbm>>
      tpu.enqueue_dma source(%arg6 : memref<64x128xf32, #tpu.memory_space<vmem>>) target(%dma_start3A_90 : memref<64x128xf32, #tpu.memory_space<hbm>>) target_semaphore(%arg14 : memref<!tpu.dma_semaphore, #tpu.memory_space<semaphore_mem>>)
      %add3A_91 = arith.constant 2 : i32
      %add3A_92 = arith.addi %mul3A_64, %add3A_91 : i32
      %dma_start3A_93 = arith.constant 0 : i32
      %dma_start3A_94 = tpu.memref_slice %arg5[%add3A_92, %dma_start3A_93] : memref<26x64xi32, #tpu.memory_space<vmem>> -> memref<1x64xi32, #tpu.memory_space<vmem>>
      %dma_start3A_95 = tpu.memref_squeeze %dma_start3A_94 : memref<1x64xi32, #tpu.memory_space<vmem>> -> memref<64xi32, #tpu.memory_space<vmem>>
      %dma_start3A_96 = arith.constant 0 : i32
      %dma_start3A_97 = arith.constant 0 : i32
      %dma_start3A_98 = tpu.memref_slice %arg2[%dma_start3A_96, %dma_start3A_97] : memref<2600000x128xf32, #tpu.memory_space<hbm>> -> memref<2600000x128xf32, #tpu.memory_space<hbm>>
      tpu.enqueue_indirect_dma source(%dma_start3A_98 : memref<2600000x128xf32, #tpu.memory_space<hbm>>) target(%arg8 : memref<64x128xf32, #tpu.memory_space<vmem>>) offsets(%dma_start3A_95 : memref<64xi32, #tpu.memory_space<vmem>>) semaphore(%arg12 : memref<!tpu.dma_semaphore, #tpu.memory_space<semaphore_mem>>)
      %dma_wait3A_99 = arith.constant 0 : i32
      %dma_wait3A_100 = tpu.memref_slice %arg5[%add3A_72, %dma_wait3A_99] : memref<26x64xi32, #tpu.memory_space<vmem>> -> memref<1x64xi32, #tpu.memory_space<vmem>>
      %dma_wait3A_101 = tpu.memref_squeeze %dma_wait3A_100 : memref<1x64xi32, #tpu.memory_space<vmem>> -> memref<64xi32, #tpu.memory_space<vmem>>
      %dma_wait3A_102 = arith.constant 0 : i32
      %dma_wait3A_103 = arith.constant 0 : i32
      %dma_wait3A_104 = tpu.memref_slice %arg2[%dma_wait3A_102, %dma_wait3A_103] : memref<2600000x128xf32, #tpu.memory_space<hbm>> -> memref<2600000x128xf32, #tpu.memory_space<hbm>>
      tpu.wait_indirect_dma semaphore(%arg11 : memref<!tpu.dma_semaphore, #tpu.memory_space<semaphore_mem>>) src(%dma_wait3A_104 : memref<2600000x128xf32, #tpu.memory_space<hbm>>) dst(%arg7 : memref<64x128xf32, #tpu.memory_space<vmem>>)
      %add3A_105 = arith.constant 1 : i32
      %add3A_106 = arith.addi %mul3A_64, %add3A_105 : i32
      %dma_start3A_107 = arith.constant 0 : i32
      %dma_start3A_108 = tpu.memref_slice %arg4[%mul3A_2, %add3A_106, %dma_start3A_107] : memref<2048x32x128xf32, #tpu.memory_space<hbm>> -> memref<64x1x128xf32, #tpu.memory_space<hbm>>
      %dma_start3A_109 = tpu.memref_squeeze %dma_start3A_108 : memref<64x1x128xf32, #tpu.memory_space<hbm>> -> memref<64x128xf32, #tpu.memory_space<hbm>>
      %dma_start3A_110 = arith.constant 0 : i32
      %dma_start3A_111 = tpu.memref_slice %arg4[%mul3A_2, %add3A_106, %dma_start3A_110] : memref<2048x32x128xf32, #tpu.memory_space<hbm>> -> memref<64x1x128xf32, #tpu.memory_space<hbm>>
      %dma_start3A_112 = tpu.memref_squeeze %dma_start3A_111 : memref<64x1x128xf32, #tpu.memory_space<hbm>> -> memref<64x128xf32, #tpu.memory_space<hbm>>
      tpu.enqueue_dma source(%arg7 : memref<64x128xf32, #tpu.memory_space<vmem>>) target(%dma_start3A_112 : memref<64x128xf32, #tpu.memory_space<hbm>>) target_semaphore(%arg15 : memref<!tpu.dma_semaphore, #tpu.memory_space<semaphore_mem>>)
      %add3A_113 = arith.constant 3 : i32
      %add3A_114 = arith.addi %mul3A_64, %add3A_113 : i32
      %dma_start3A_115 = arith.constant 0 : i32
      %dma_start3A_116 = tpu.memref_slice %arg5[%add3A_114, %dma_start3A_115] : memref<26x64xi32, #tpu.memory_space<vmem>> -> memref<1x64xi32, #tpu.memory_space<vmem>>
      %dma_start3A_117 = tpu.memref_squeeze %dma_start3A_116 : memref<1x64xi32, #tpu.memory_space<vmem>> -> memref<64xi32, #tpu.memory_space<vmem>>
      %dma_start3A_118 = arith.constant 0 : i32
      %dma_start3A_119 = arith.constant 0 : i32
      %dma_start3A_120 = tpu.memref_slice %arg2[%dma_start3A_118, %dma_start3A_119] : memref<2600000x128xf32, #tpu.memory_space<hbm>> -> memref<2600000x128xf32, #tpu.memory_space<hbm>>
      tpu.enqueue_indirect_dma source(%dma_start3A_120 : memref<2600000x128xf32, #tpu.memory_space<hbm>>) target(%arg9 : memref<64x128xf32, #tpu.memory_space<vmem>>) offsets(%dma_start3A_117 : memref<64xi32, #tpu.memory_space<vmem>>) semaphore(%arg13 : memref<!tpu.dma_semaphore, #tpu.memory_space<semaphore_mem>>)
      %dma_wait3A_121 = arith.constant 0 : i32
      %dma_wait3A_122 = tpu.memref_slice %arg5[%add3A_92, %dma_wait3A_121] : memref<26x64xi32, #tpu.memory_space<vmem>> -> memref<1x64xi32, #tpu.memory_space<vmem>>
      %dma_wait3A_123 = tpu.memref_squeeze %dma_wait3A_122 : memref<1x64xi32, #tpu.memory_space<vmem>> -> memref<64xi32, #tpu.memory_space<vmem>>
      %dma_wait3A_124 = arith.constant 0 : i32
      %dma_wait3A_125 = arith.constant 0 : i32
      %dma_wait3A_126 = tpu.memref_slice %arg2[%dma_wait3A_124, %dma_wait3A_125] : memref<2600000x128xf32, #tpu.memory_space<hbm>> -> memref<2600000x128xf32, #tpu.memory_space<hbm>>
      tpu.wait_indirect_dma semaphore(%arg12 : memref<!tpu.dma_semaphore, #tpu.memory_space<semaphore_mem>>) src(%dma_wait3A_126 : memref<2600000x128xf32, #tpu.memory_space<hbm>>) dst(%arg8 : memref<64x128xf32, #tpu.memory_space<vmem>>)
      %add3A_127 = arith.constant 2 : i32
      %add3A_128 = arith.addi %mul3A_64, %add3A_127 : i32
      %dma_start3A_129 = arith.constant 0 : i32
      %dma_start3A_130 = tpu.memref_slice %arg4[%mul3A_2, %add3A_128, %dma_start3A_129] : memref<2048x32x128xf32, #tpu.memory_space<hbm>> -> memref<64x1x128xf32, #tpu.memory_space<hbm>>
      %dma_start3A_131 = tpu.memref_squeeze %dma_start3A_130 : memref<64x1x128xf32, #tpu.memory_space<hbm>> -> memref<64x128xf32, #tpu.memory_space<hbm>>
      %dma_start3A_132 = arith.constant 0 : i32
      %dma_start3A_133 = tpu.memref_slice %arg4[%mul3A_2, %add3A_128, %dma_start3A_132] : memref<2048x32x128xf32, #tpu.memory_space<hbm>> -> memref<64x1x128xf32, #tpu.memory_space<hbm>>
      %dma_start3A_134 = tpu.memref_squeeze %dma_start3A_133 : memref<64x1x128xf32, #tpu.memory_space<hbm>> -> memref<64x128xf32, #tpu.memory_space<hbm>>
      tpu.enqueue_dma source(%arg8 : memref<64x128xf32, #tpu.memory_space<vmem>>) target(%dma_start3A_134 : memref<64x128xf32, #tpu.memory_space<hbm>>) target_semaphore(%arg16 : memref<!tpu.dma_semaphore, #tpu.memory_space<semaphore_mem>>)
      %dma_wait3A_135 = arith.constant 0 : i32
      %dma_wait3A_136 = tpu.memref_slice %arg5[%add3A_114, %dma_wait3A_135] : memref<26x64xi32, #tpu.memory_space<vmem>> -> memref<1x64xi32, #tpu.memory_space<vmem>>
      %dma_wait3A_137 = tpu.memref_squeeze %dma_wait3A_136 : memref<1x64xi32, #tpu.memory_space<vmem>> -> memref<64xi32, #tpu.memory_space<vmem>>
      %dma_wait3A_138 = arith.constant 0 : i32
      %dma_wait3A_139 = arith.constant 0 : i32
      %dma_wait3A_140 = tpu.memref_slice %arg2[%dma_wait3A_138, %dma_wait3A_139] : memref<2600000x128xf32, #tpu.memory_space<hbm>> -> memref<2600000x128xf32, #tpu.memory_space<hbm>>
      tpu.wait_indirect_dma semaphore(%arg13 : memref<!tpu.dma_semaphore, #tpu.memory_space<semaphore_mem>>) src(%dma_wait3A_140 : memref<2600000x128xf32, #tpu.memory_space<hbm>>) dst(%arg9 : memref<64x128xf32, #tpu.memory_space<vmem>>)
      %add3A_141 = arith.constant 3 : i32
      %add3A_142 = arith.addi %mul3A_64, %add3A_141 : i32
      %dma_start3A_143 = arith.constant 0 : i32
      %dma_start3A_144 = tpu.memref_slice %arg4[%mul3A_2, %add3A_142, %dma_start3A_143] : memref<2048x32x128xf32, #tpu.memory_space<hbm>> -> memref<64x1x128xf32, #tpu.memory_space<hbm>>
      %dma_start3A_145 = tpu.memref_squeeze %dma_start3A_144 : memref<64x1x128xf32, #tpu.memory_space<hbm>> -> memref<64x128xf32, #tpu.memory_space<hbm>>
      %dma_start3A_146 = arith.constant 0 : i32
      %dma_start3A_147 = tpu.memref_slice %arg4[%mul3A_2, %add3A_142, %dma_start3A_146] : memref<2048x32x128xf32, #tpu.memory_space<hbm>> -> memref<64x1x128xf32, #tpu.memory_space<hbm>>
      %dma_start3A_148 = tpu.memref_squeeze %dma_start3A_147 : memref<64x1x128xf32, #tpu.memory_space<hbm>> -> memref<64x128xf32, #tpu.memory_space<hbm>>
      tpu.enqueue_dma source(%arg9 : memref<64x128xf32, #tpu.memory_space<vmem>>) target(%dma_start3A_148 : memref<64x128xf32, #tpu.memory_space<hbm>>) target_semaphore(%arg17 : memref<!tpu.dma_semaphore, #tpu.memory_space<semaphore_mem>>)
      %dma_wait3A_149 = arith.constant 0 : i32
      %dma_wait3A_150 = tpu.memref_slice %arg4[%mul3A_2, %mul3A_64, %dma_wait3A_149] : memref<2048x32x128xf32, #tpu.memory_space<hbm>> -> memref<64x1x128xf32, #tpu.memory_space<hbm>>
      %dma_wait3A_151 = tpu.memref_squeeze %dma_wait3A_150 : memref<64x1x128xf32, #tpu.memory_space<hbm>> -> memref<64x128xf32, #tpu.memory_space<hbm>>
      %dma_wait3A_152 = arith.constant 0 : i32
      %dma_wait3A_153 = tpu.memref_slice %arg4[%mul3A_2, %mul3A_64, %dma_wait3A_152] : memref<2048x32x128xf32, #tpu.memory_space<hbm>> -> memref<64x1x128xf32, #tpu.memory_space<hbm>>
      %dma_wait3A_154 = tpu.memref_squeeze %dma_wait3A_153 : memref<64x1x128xf32, #tpu.memory_space<hbm>> -> memref<64x128xf32, #tpu.memory_space<hbm>>
      tpu.wait_dma2 semaphore(%arg14 : memref<!tpu.dma_semaphore, #tpu.memory_space<semaphore_mem>>) src(%arg6 : memref<64x128xf32, #tpu.memory_space<vmem>>) dst(%dma_wait3A_154 : memref<64x128xf32, #tpu.memory_space<hbm>>)
      %dma_wait3A_155 = arith.constant 0 : i32
      %dma_wait3A_156 = tpu.memref_slice %arg4[%mul3A_2, %add3A_106, %dma_wait3A_155] : memref<2048x32x128xf32, #tpu.memory_space<hbm>> -> memref<64x1x128xf32, #tpu.memory_space<hbm>>
      %dma_wait3A_157 = tpu.memref_squeeze %dma_wait3A_156 : memref<64x1x128xf32, #tpu.memory_space<hbm>> -> memref<64x128xf32, #tpu.memory_space<hbm>>
      %dma_wait3A_158 = arith.constant 0 : i32
      %dma_wait3A_159 = tpu.memref_slice %arg4[%mul3A_2, %add3A_106, %dma_wait3A_158] : memref<2048x32x128xf32, #tpu.memory_space<hbm>> -> memref<64x1x128xf32, #tpu.memory_space<hbm>>
      %dma_wait3A_160 = tpu.memref_squeeze %dma_wait3A_159 : memref<64x1x128xf32, #tpu.memory_space<hbm>> -> memref<64x128xf32, #tpu.memory_space<hbm>>
      tpu.wait_dma2 semaphore(%arg15 : memref<!tpu.dma_semaphore, #tpu.memory_space<semaphore_mem>>) src(%arg7 : memref<64x128xf32, #tpu.memory_space<vmem>>) dst(%dma_wait3A_160 : memref<64x128xf32, #tpu.memory_space<hbm>>)
      %dma_wait3A_161 = arith.constant 0 : i32
      %dma_wait3A_162 = tpu.memref_slice %arg4[%mul3A_2, %add3A_128, %dma_wait3A_161] : memref<2048x32x128xf32, #tpu.memory_space<hbm>> -> memref<64x1x128xf32, #tpu.memory_space<hbm>>
      %dma_wait3A_163 = tpu.memref_squeeze %dma_wait3A_162 : memref<64x1x128xf32, #tpu.memory_space<hbm>> -> memref<64x128xf32, #tpu.memory_space<hbm>>
      %dma_wait3A_164 = arith.constant 0 : i32
      %dma_wait3A_165 = tpu.memref_slice %arg4[%mul3A_2, %add3A_128, %dma_wait3A_164] : memref<2048x32x128xf32, #tpu.memory_space<hbm>> -> memref<64x1x128xf32, #tpu.memory_space<hbm>>
      %dma_wait3A_166 = tpu.memref_squeeze %dma_wait3A_165 : memref<64x1x128xf32, #tpu.memory_space<hbm>> -> memref<64x128xf32, #tpu.memory_space<hbm>>
      tpu.wait_dma2 semaphore(%arg16 : memref<!tpu.dma_semaphore, #tpu.memory_space<semaphore_mem>>) src(%arg8 : memref<64x128xf32, #tpu.memory_space<vmem>>) dst(%dma_wait3A_166 : memref<64x128xf32, #tpu.memory_space<hbm>>)
      %dma_wait3A_167 = arith.constant 0 : i32
      %dma_wait3A_168 = tpu.memref_slice %arg4[%mul3A_2, %add3A_142, %dma_wait3A_167] : memref<2048x32x128xf32, #tpu.memory_space<hbm>> -> memref<64x1x128xf32, #tpu.memory_space<hbm>>
      %dma_wait3A_169 = tpu.memref_squeeze %dma_wait3A_168 : memref<64x1x128xf32, #tpu.memory_space<hbm>> -> memref<64x128xf32, #tpu.memory_space<hbm>>
      %dma_wait3A_170 = arith.constant 0 : i32
      %dma_wait3A_171 = tpu.memref_slice %arg4[%mul3A_2, %add3A_142, %dma_wait3A_170] : memref<2048x32x128xf32, #tpu.memory_space<hbm>> -> memref<64x1x128xf32, #tpu.memory_space<hbm>>
      %dma_wait3A_172 = tpu.memref_squeeze %dma_wait3A_171 : memref<64x1x128xf32, #tpu.memory_space<hbm>> -> memref<64x128xf32, #tpu.memory_space<hbm>>
      tpu.wait_dma2 semaphore(%arg17 : memref<!tpu.dma_semaphore, #tpu.memory_space<semaphore_mem>>) src(%arg9 : memref<64x128xf32, #tpu.memory_space<vmem>>) dst(%dma_wait3A_172 : memref<64x128xf32, #tpu.memory_space<hbm>>)
    }
    %scan3A_7 = arith.constant 6 : i32
    %dma_start3A = arith.constant 24 : i32
    %dma_start3A_8 = arith.constant 0 : i32
    %dma_start3A_9 = tpu.memref_slice %arg5[%dma_start3A, %dma_start3A_8] : memref<26x64xi32, #tpu.memory_space<vmem>> -> memref<1x64xi32, #tpu.memory_space<vmem>>
    %dma_start3A_10 = tpu.memref_squeeze %dma_start3A_9 : memref<1x64xi32, #tpu.memory_space<vmem>> -> memref<64xi32, #tpu.memory_space<vmem>>
    %dma_start3A_11 = arith.constant 0 : i32
    %dma_start3A_12 = arith.constant 0 : i32
    %dma_start3A_13 = tpu.memref_slice %arg2[%dma_start3A_11, %dma_start3A_12] : memref<2600000x128xf32, #tpu.memory_space<hbm>> -> memref<2600000x128xf32, #tpu.memory_space<hbm>>
    tpu.enqueue_indirect_dma source(%dma_start3A_13 : memref<2600000x128xf32, #tpu.memory_space<hbm>>) target(%arg6 : memref<64x128xf32, #tpu.memory_space<vmem>>) offsets(%dma_start3A_10 : memref<64xi32, #tpu.memory_space<vmem>>) semaphore(%arg10 : memref<!tpu.dma_semaphore, #tpu.memory_space<semaphore_mem>>)
    %dma_start3A_14 = arith.constant 25 : i32
    %dma_start3A_15 = arith.constant 0 : i32
    %dma_start3A_16 = tpu.memref_slice %arg5[%dma_start3A_14, %dma_start3A_15] : memref<26x64xi32, #tpu.memory_space<vmem>> -> memref<1x64xi32, #tpu.memory_space<vmem>>
    %dma_start3A_17 = tpu.memref_squeeze %dma_start3A_16 : memref<1x64xi32, #tpu.memory_space<vmem>> -> memref<64xi32, #tpu.memory_space<vmem>>
    %dma_start3A_18 = arith.constant 0 : i32
    %dma_start3A_19 = arith.constant 0 : i32
    %dma_start3A_20 = tpu.memref_slice %arg2[%dma_start3A_18, %dma_start3A_19] : memref<2600000x128xf32, #tpu.memory_space<hbm>> -> memref<2600000x128xf32, #tpu.memory_space<hbm>>
    tpu.enqueue_indirect_dma source(%dma_start3A_20 : memref<2600000x128xf32, #tpu.memory_space<hbm>>) target(%arg7 : memref<64x128xf32, #tpu.memory_space<vmem>>) offsets(%dma_start3A_17 : memref<64xi32, #tpu.memory_space<vmem>>) semaphore(%arg11 : memref<!tpu.dma_semaphore, #tpu.memory_space<semaphore_mem>>)
    %dma_wait3A = arith.constant 24 : i32
    %dma_wait3A_21 = arith.constant 0 : i32
    %dma_wait3A_22 = tpu.memref_slice %arg5[%dma_wait3A, %dma_wait3A_21] : memref<26x64xi32, #tpu.memory_space<vmem>> -> memref<1x64xi32, #tpu.memory_space<vmem>>
    %dma_wait3A_23 = tpu.memref_squeeze %dma_wait3A_22 : memref<1x64xi32, #tpu.memory_space<vmem>> -> memref<64xi32, #tpu.memory_space<vmem>>
    %dma_wait3A_24 = arith.constant 0 : i32
    %dma_wait3A_25 = arith.constant 0 : i32
    %dma_wait3A_26 = tpu.memref_slice %arg2[%dma_wait3A_24, %dma_wait3A_25] : memref<2600000x128xf32, #tpu.memory_space<hbm>> -> memref<2600000x128xf32, #tpu.memory_space<hbm>>
    tpu.wait_indirect_dma semaphore(%arg10 : memref<!tpu.dma_semaphore, #tpu.memory_space<semaphore_mem>>) src(%dma_wait3A_26 : memref<2600000x128xf32, #tpu.memory_space<hbm>>) dst(%arg6 : memref<64x128xf32, #tpu.memory_space<vmem>>)
    %dma_start3A_27 = arith.constant 24 : i32
    %dma_start3A_28 = arith.constant 0 : i32
    %dma_start3A_29 = tpu.memref_slice %arg4[%mul3A_2, %dma_start3A_27, %dma_start3A_28] : memref<2048x32x128xf32, #tpu.memory_space<hbm>> -> memref<64x1x128xf32, #tpu.memory_space<hbm>>
    %dma_start3A_30 = tpu.memref_squeeze %dma_start3A_29 : memref<64x1x128xf32, #tpu.memory_space<hbm>> -> memref<64x128xf32, #tpu.memory_space<hbm>>
    %dma_start3A_31 = arith.constant 0 : i32
    %dma_start3A_32 = tpu.memref_slice %arg4[%mul3A_2, %dma_start3A_27, %dma_start3A_31] : memref<2048x32x128xf32, #tpu.memory_space<hbm>> -> memref<64x1x128xf32, #tpu.memory_space<hbm>>
    %dma_start3A_33 = tpu.memref_squeeze %dma_start3A_32 : memref<64x1x128xf32, #tpu.memory_space<hbm>> -> memref<64x128xf32, #tpu.memory_space<hbm>>
    tpu.enqueue_dma source(%arg6 : memref<64x128xf32, #tpu.memory_space<vmem>>) target(%dma_start3A_33 : memref<64x128xf32, #tpu.memory_space<hbm>>) target_semaphore(%arg14 : memref<!tpu.dma_semaphore, #tpu.memory_space<semaphore_mem>>)
    %dma_wait3A_34 = arith.constant 25 : i32
    %dma_wait3A_35 = arith.constant 0 : i32
    %dma_wait3A_36 = tpu.memref_slice %arg5[%dma_wait3A_34, %dma_wait3A_35] : memref<26x64xi32, #tpu.memory_space<vmem>> -> memref<1x64xi32, #tpu.memory_space<vmem>>
    %dma_wait3A_37 = tpu.memref_squeeze %dma_wait3A_36 : memref<1x64xi32, #tpu.memory_space<vmem>> -> memref<64xi32, #tpu.memory_space<vmem>>
    %dma_wait3A_38 = arith.constant 0 : i32
    %dma_wait3A_39 = arith.constant 0 : i32
    %dma_wait3A_40 = tpu.memref_slice %arg2[%dma_wait3A_38, %dma_wait3A_39] : memref<2600000x128xf32, #tpu.memory_space<hbm>> -> memref<2600000x128xf32, #tpu.memory_space<hbm>>
    tpu.wait_indirect_dma semaphore(%arg11 : memref<!tpu.dma_semaphore, #tpu.memory_space<semaphore_mem>>) src(%dma_wait3A_40 : memref<2600000x128xf32, #tpu.memory_space<hbm>>) dst(%arg7 : memref<64x128xf32, #tpu.memory_space<vmem>>)
    %dma_start3A_41 = arith.constant 25 : i32
    %dma_start3A_42 = arith.constant 0 : i32
    %dma_start3A_43 = tpu.memref_slice %arg4[%mul3A_2, %dma_start3A_41, %dma_start3A_42] : memref<2048x32x128xf32, #tpu.memory_space<hbm>> -> memref<64x1x128xf32, #tpu.memory_space<hbm>>
    %dma_start3A_44 = tpu.memref_squeeze %dma_start3A_43 : memref<64x1x128xf32, #tpu.memory_space<hbm>> -> memref<64x128xf32, #tpu.memory_space<hbm>>
    %dma_start3A_45 = arith.constant 0 : i32
    %dma_start3A_46 = tpu.memref_slice %arg4[%mul3A_2, %dma_start3A_41, %dma_start3A_45] : memref<2048x32x128xf32, #tpu.memory_space<hbm>> -> memref<64x1x128xf32, #tpu.memory_space<hbm>>
    %dma_start3A_47 = tpu.memref_squeeze %dma_start3A_46 : memref<64x1x128xf32, #tpu.memory_space<hbm>> -> memref<64x128xf32, #tpu.memory_space<hbm>>
    tpu.enqueue_dma source(%arg7 : memref<64x128xf32, #tpu.memory_space<vmem>>) target(%dma_start3A_47 : memref<64x128xf32, #tpu.memory_space<hbm>>) target_semaphore(%arg15 : memref<!tpu.dma_semaphore, #tpu.memory_space<semaphore_mem>>)
    %dma_wait3A_48 = arith.constant 24 : i32
    %dma_wait3A_49 = arith.constant 0 : i32
    %dma_wait3A_50 = tpu.memref_slice %arg4[%mul3A_2, %dma_wait3A_48, %dma_wait3A_49] : memref<2048x32x128xf32, #tpu.memory_space<hbm>> -> memref<64x1x128xf32, #tpu.memory_space<hbm>>
    %dma_wait3A_51 = tpu.memref_squeeze %dma_wait3A_50 : memref<64x1x128xf32, #tpu.memory_space<hbm>> -> memref<64x128xf32, #tpu.memory_space<hbm>>
    %dma_wait3A_52 = arith.constant 0 : i32
    %dma_wait3A_53 = tpu.memref_slice %arg4[%mul3A_2, %dma_wait3A_48, %dma_wait3A_52] : memref<2048x32x128xf32, #tpu.memory_space<hbm>> -> memref<64x1x128xf32, #tpu.memory_space<hbm>>
    %dma_wait3A_54 = tpu.memref_squeeze %dma_wait3A_53 : memref<64x1x128xf32, #tpu.memory_space<hbm>> -> memref<64x128xf32, #tpu.memory_space<hbm>>
    tpu.wait_dma2 semaphore(%arg14 : memref<!tpu.dma_semaphore, #tpu.memory_space<semaphore_mem>>) src(%arg6 : memref<64x128xf32, #tpu.memory_space<vmem>>) dst(%dma_wait3A_54 : memref<64x128xf32, #tpu.memory_space<hbm>>)
    %dma_wait3A_55 = arith.constant 25 : i32
    %dma_wait3A_56 = arith.constant 0 : i32
    %dma_wait3A_57 = tpu.memref_slice %arg4[%mul3A_2, %dma_wait3A_55, %dma_wait3A_56] : memref<2048x32x128xf32, #tpu.memory_space<hbm>> -> memref<64x1x128xf32, #tpu.memory_space<hbm>>
    %dma_wait3A_58 = tpu.memref_squeeze %dma_wait3A_57 : memref<64x1x128xf32, #tpu.memory_space<hbm>> -> memref<64x128xf32, #tpu.memory_space<hbm>>
    %dma_wait3A_59 = arith.constant 0 : i32
    %dma_wait3A_60 = tpu.memref_slice %arg4[%mul3A_2, %dma_wait3A_55, %dma_wait3A_59] : memref<2048x32x128xf32, #tpu.memory_space<hbm>> -> memref<64x1x128xf32, #tpu.memory_space<hbm>>
    %dma_wait3A_61 = tpu.memref_squeeze %dma_wait3A_60 : memref<64x1x128xf32, #tpu.memory_space<hbm>> -> memref<64x128xf32, #tpu.memory_space<hbm>>
    tpu.wait_dma2 semaphore(%arg15 : memref<!tpu.dma_semaphore, #tpu.memory_space<semaphore_mem>>) src(%arg7 : memref<64x128xf32, #tpu.memory_space<vmem>>) dst(%dma_wait3A_61 : memref<64x128xf32, #tpu.memory_space<hbm>>)
    return
  }
}

module attributes {stable_mosaic.version = 14 : i64} {
  func.func @_bot_body(%arg0: i32, %arg1: memref<512x39xf32, #tpu.memory_space<vmem>>, %arg2: memref<13x512xf32, #tpu.memory_space<vmem>>, %arg3: memref<1x512xf32, #tpu.memory_space<vmem>>, %arg4: memref<512x256xf32, #tpu.memory_space<vmem>>, %arg5: memref<1x256xf32, #tpu.memory_space<vmem>>, %arg6: memref<256x128xf32, #tpu.memory_space<vmem>>, %arg7: memref<1x128xf32, #tpu.memory_space<vmem>>, %arg8: memref<512x128xf32, #tpu.memory_space<vmem>>) attributes {dimension_semantics = [#tpu.dimension_semantics<arbitrary>], iteration_bounds = array<i64: 8>, scalar_prefetch = 0 : i64, scratch_operands = 0 : i64, tpu.core_type = #tpu.core_type<tc>, window_params = [{transform_indices = @transform_0, window_bounds = array<i64: 512, 39>}, {pipeline_mode = #tpu.pipeline_mode<synchronous>, transform_indices = @transform_1, window_bounds = array<i64: 13, 512>}, {pipeline_mode = #tpu.pipeline_mode<synchronous>, transform_indices = @transform_2, window_bounds = array<i64: 1, 512>}, {pipeline_mode = #tpu.pipeline_mode<synchronous>, transform_indices = @transform_3, window_bounds = array<i64: 512, 256>}, {pipeline_mode = #tpu.pipeline_mode<synchronous>, transform_indices = @transform_4, window_bounds = array<i64: 1, 256>}, {pipeline_mode = #tpu.pipeline_mode<synchronous>, transform_indices = @transform_5, window_bounds = array<i64: 256, 128>}, {pipeline_mode = #tpu.pipeline_mode<synchronous>, transform_indices = @transform_6, window_bounds = array<i64: 1, 128>}, {transform_indices = @transform_7, window_bounds = array<i64: 512, 128>}]} {
    %get3A = arith.constant 0 : index
    %get3A_0 = arith.constant 0 : index
    %get3A_1 = vector.load %arg1[%get3A, %get3A_0] : memref<512x39xf32, #tpu.memory_space<vmem>>, vector<512x13xf32>
    %get3A_2 = arith.constant 0 : index
    %get3A_3 = arith.constant 0 : index
    %get3A_4 = vector.load %arg2[%get3A_2, %get3A_3] : memref<13x512xf32, #tpu.memory_space<vmem>>, vector<13x512xf32>
    %dot_general3A = arith.constant dense<0.000000e+00> : vector<512x512xf32>
    %dot_general3A_5 = tpu.matmul %get3A_1, %get3A_4, %dot_general3A {dimension_numbers = #tpu.dot_dimension_numbers<[1], [0], [0], [1], [0, 0, 1, 1], [], []>, transpose_lhs_hint = false} : vector<512x13xf32>, vector<13x512xf32>, vector<512x512xf32> -> vector<512x512xf32>
    %get3A_6 = arith.constant 0 : index
    %get3A_7 = arith.constant 0 : index
    %get3A_8 = vector.load %arg3[%get3A_6, %get3A_7] : memref<1x512xf32, #tpu.memory_space<vmem>>, vector<1x512xf32>
    %add3A = vector.broadcast %get3A_8 : vector<1x512xf32> to vector<512x512xf32>
    %add3A_9 = arith.addf %dot_general3A_5, %add3A : vector<512x512xf32>
    %max3A = arith.constant 0.000000e+00 : f32
    %max3A_10 = vector.broadcast %max3A : f32 to vector<512x512xf32>
    %max3A_11 = arith.maximumf %add3A_9, %max3A_10 : vector<512x512xf32>
    %get3A_12 = arith.constant 0 : index
    %get3A_13 = arith.constant 0 : index
    %get3A_14 = vector.load %arg4[%get3A_12, %get3A_13] : memref<512x256xf32, #tpu.memory_space<vmem>>, vector<512x256xf32>
    %dot_general3A_15 = arith.constant dense<0.000000e+00> : vector<512x256xf32>
    %dot_general3A_16 = tpu.matmul %max3A_11, %get3A_14, %dot_general3A_15 {dimension_numbers = #tpu.dot_dimension_numbers<[1], [0], [0], [1], [0, 0, 1, 1], [], []>, transpose_lhs_hint = false} : vector<512x512xf32>, vector<512x256xf32>, vector<512x256xf32> -> vector<512x256xf32>
    %get3A_17 = arith.constant 0 : index
    %get3A_18 = arith.constant 0 : index
    %get3A_19 = vector.load %arg5[%get3A_17, %get3A_18] : memref<1x256xf32, #tpu.memory_space<vmem>>, vector<1x256xf32>
    %add3A_20 = vector.broadcast %get3A_19 : vector<1x256xf32> to vector<512x256xf32>
    %add3A_21 = arith.addf %dot_general3A_16, %add3A_20 : vector<512x256xf32>
    %max3A_22 = arith.constant 0.000000e+00 : f32
    %max3A_23 = vector.broadcast %max3A_22 : f32 to vector<512x256xf32>
    %max3A_24 = arith.maximumf %add3A_21, %max3A_23 : vector<512x256xf32>
    %get3A_25 = arith.constant 0 : index
    %get3A_26 = arith.constant 0 : index
    %get3A_27 = vector.load %arg6[%get3A_25, %get3A_26] : memref<256x128xf32, #tpu.memory_space<vmem>>, vector<256x128xf32>
    %dot_general3A_28 = arith.constant dense<0.000000e+00> : vector<512x128xf32>
    %dot_general3A_29 = tpu.matmul %max3A_24, %get3A_27, %dot_general3A_28 {dimension_numbers = #tpu.dot_dimension_numbers<[1], [0], [0], [1], [0, 0, 1, 1], [], []>, transpose_lhs_hint = false} : vector<512x256xf32>, vector<256x128xf32>, vector<512x128xf32> -> vector<512x128xf32>
    %get3A_30 = arith.constant 0 : index
    %get3A_31 = arith.constant 0 : index
    %get3A_32 = vector.load %arg7[%get3A_30, %get3A_31] : memref<1x128xf32, #tpu.memory_space<vmem>>, vector<1x128xf32>
    %add3A_33 = vector.broadcast %get3A_32 : vector<1x128xf32> to vector<512x128xf32>
    %add3A_34 = arith.addf %dot_general3A_29, %add3A_33 : vector<512x128xf32>
    %max3A_35 = arith.constant 0.000000e+00 : f32
    %max3A_36 = vector.broadcast %max3A_35 : f32 to vector<512x128xf32>
    %max3A_37 = arith.maximumf %add3A_34, %max3A_36 : vector<512x128xf32>
    %swap3A = arith.constant 0 : index
    %swap3A_38 = arith.constant 0 : index
    %swap3A_39 = vector.load %arg8[%swap3A, %swap3A_38] : memref<512x128xf32, #tpu.memory_space<vmem>>, vector<512x128xf32>
    tpu.vector_store %arg8[%swap3A, %swap3A_38], %max3A_37 {strides = array<i32>} : memref<512x128xf32, #tpu.memory_space<vmem>>, vector<512x128xf32>,
    return
  }
  func.func @transform_0(%arg0: i32) -> (i32, i32) {
    %c0_i32 = arith.constant 0 : i32
    %c0_i32_0 = arith.constant 0 : i32
    return %arg0, %c0_i32 : i32, i32
  }
  func.func @transform_1(%arg0: i32) -> (i32, i32) {
    %c0_i32 = arith.constant 0 : i32
    %c0_i32_0 = arith.constant 0 : i32
    %c0_i32_1 = arith.constant 0 : i32
    return %c0_i32, %c0_i32_0 : i32, i32
  }
  func.func @transform_2(%arg0: i32) -> (i32, i32) {
    %c0_i32 = arith.constant 0 : i32
    %c0_i32_0 = arith.constant 0 : i32
    %c0_i32_1 = arith.constant 0 : i32
    return %c0_i32, %c0_i32_0 : i32, i32
  }
  func.func @transform_3(%arg0: i32) -> (i32, i32) {
    %c0_i32 = arith.constant 0 : i32
    %c0_i32_0 = arith.constant 0 : i32
    %c0_i32_1 = arith.constant 0 : i32
    return %c0_i32, %c0_i32_0 : i32, i32
  }
  func.func @transform_4(%arg0: i32) -> (i32, i32) {
    %c0_i32 = arith.constant 0 : i32
    %c0_i32_0 = arith.constant 0 : i32
    %c0_i32_1 = arith.constant 0 : i32
    return %c0_i32, %c0_i32_0 : i32, i32
  }
  func.func @transform_5(%arg0: i32) -> (i32, i32) {
    %c0_i32 = arith.constant 0 : i32
    %c0_i32_0 = arith.constant 0 : i32
    %c0_i32_1 = arith.constant 0 : i32
    return %c0_i32, %c0_i32_0 : i32, i32
  }
  func.func @transform_6(%arg0: i32) -> (i32, i32) {
    %c0_i32 = arith.constant 0 : i32
    %c0_i32_0 = arith.constant 0 : i32
    %c0_i32_1 = arith.constant 0 : i32
    return %c0_i32, %c0_i32_0 : i32, i32
  }
  func.func @transform_7(%arg0: i32) -> (i32, i32) {
    %c0_i32 = arith.constant 0 : i32
    %c0_i32_0 = arith.constant 0 : i32
    return %arg0, %c0_i32 : i32, i32
  }
}

module attributes {stable_mosaic.version = 14 : i64} {
  func.func @_tc_body(%arg0: i32, %arg1: memref<512x128xf32, #tpu.memory_space<vmem>>, %arg2: memref<512x32x128xf32, #tpu.memory_space<vmem>>, %arg3: memref<128x1024xf32, #tpu.memory_space<vmem>>, %arg4: memref<1024x384xf32, #tpu.memory_space<vmem>>, %arg5: memref<384x1024xf32, #tpu.memory_space<vmem>>, %arg6: memref<1x1024xf32, #tpu.memory_space<vmem>>, %arg7: memref<1024x1024xf32, #tpu.memory_space<vmem>>, %arg8: memref<1x1024xf32, #tpu.memory_space<vmem>>, %arg9: memref<1024x512xf32, #tpu.memory_space<vmem>>, %arg10: memref<1x512xf32, #tpu.memory_space<vmem>>, %arg11: memref<512x256xf32, #tpu.memory_space<vmem>>, %arg12: memref<1x256xf32, #tpu.memory_space<vmem>>, %arg13: memref<256x1xf32, #tpu.memory_space<vmem>>, %arg14: memref<1x1xf32, #tpu.memory_space<vmem>>, %arg15: memref<512x1xf32, #tpu.memory_space<vmem>>) attributes {dimension_semantics = [#tpu.dimension_semantics<arbitrary>], iteration_bounds = array<i64: 4>, scalar_prefetch = 0 : i64, scratch_operands = 0 : i64, tpu.core_type = #tpu.core_type<tc>, window_params = [{transform_indices = @transform_0, window_bounds = array<i64: 512, 128>}, {transform_indices = @transform_1, window_bounds = array<i64: 512, 32, 128>}, {pipeline_mode = #tpu.pipeline_mode<synchronous>, transform_indices = @transform_2, window_bounds = array<i64: 128, 1024>}, {pipeline_mode = #tpu.pipeline_mode<synchronous>, transform_indices = @transform_3, window_bounds = array<i64: 1024, 384>}, {pipeline_mode = #tpu.pipeline_mode<synchronous>, transform_indices = @transform_4, window_bounds = array<i64: 384, 1024>}, {pipeline_mode = #tpu.pipeline_mode<synchronous>, transform_indices = @transform_5, window_bounds = array<i64: 1, 1024>}, {pipeline_mode = #tpu.pipeline_mode<synchronous>, transform_indices = @transform_6, window_bounds = array<i64: 1024, 1024>}, {pipeline_mode = #tpu.pipeline_mode<synchronous>, transform_indices = @transform_7, window_bounds = array<i64: 1, 1024>}, {pipeline_mode = #tpu.pipeline_mode<synchronous>, transform_indices = @transform_8, window_bounds = array<i64: 1024, 512>}, {pipeline_mode = #tpu.pipeline_mode<synchronous>, transform_indices = @transform_9, window_bounds = array<i64: 1, 512>}, {pipeline_mode = #tpu.pipeline_mode<synchronous>, transform_indices = @transform_10, window_bounds = array<i64: 512, 256>}, {pipeline_mode = #tpu.pipeline_mode<synchronous>, transform_indices = @transform_11, window_bounds = array<i64: 1, 256>}, {pipeline_mode = #tpu.pipeline_mode<synchronous>, transform_indices = @transform_12, window_bounds = array<i64: 256, 1>}, {pipeline_mode = #tpu.pipeline_mode<synchronous>, transform_indices = @transform_13, window_bounds = array<i64: 1, 1>}, {transform_indices = @transform_14, window_bounds = array<i64: 512, 1>}]} {
    %get3A = arith.constant 0 : index
    %get3A_0 = arith.constant 0 : index
    %get3A_1 = vector.load %arg1[%get3A, %get3A_0] : memref<512x128xf32, #tpu.memory_space<vmem>>, vector<512x128xf32>
    %iota3A = tpu.iota {dimensions = array<i32: 1>} : vector<512x32x128xi32>
    %eq3A = arith.constant 31 : i32
    %eq3A_2 = vector.broadcast %eq3A : i32 to vector<512x32x128xi32>
    %eq3A_3 = arith.cmpi eq, %iota3A, %eq3A_2 : vector<512x32x128xi32>
    %broadcast_in_dim3A = vector.shape_cast %get3A_1 : vector<512x128xf32> to vector<512x1x128xf32>
    %le3A = arith.constant 25 : i32
    %le3A_4 = vector.broadcast %le3A : i32 to vector<512x32x128xi32>
    %le3A_5 = arith.cmpi sle, %iota3A, %le3A_4 : vector<512x32x128xi32>
    %get3A_6 = arith.constant 0 : index
    %get3A_7 = arith.constant 0 : index
    %get3A_8 = arith.constant 0 : index
    %get3A_9 = vector.load %arg2[%get3A_6, %get3A_7, %get3A_8] : memref<512x32x128xf32, #tpu.memory_space<vmem>>, vector<512x32x128xf32>
    %jit3A = arith.constant 0.000000e+00 : f32
    %broadcast_in_dim3A_10 = vector.broadcast %jit3A : f32 to vector<512x32x128xf32>
    %select_n3A = arith.select %le3A_5, %get3A_9, %broadcast_in_dim3A_10 : vector<512x32x128xi1>, vector<512x32x128xf32>
    %broadcast_in_dim3A_11 = vector.shape_cast %broadcast_in_dim3A : vector<512x1x128xf32> to vector<512x1x128xf32>
    %broadcast_in_dim3A_12 = vector.broadcast %broadcast_in_dim3A_11 : vector<512x1x128xf32> to vector<512x32x128xf32>
    %select_n3A_13 = arith.select %eq3A_3, %broadcast_in_dim3A_12, %select_n3A : vector<512x32x128xi1>, vector<512x32x128xf32>
    %dot_general3A = arith.constant dense<0.000000e+00> : vector<512x32x32xf32>
    %dot_general3A_14 = tpu.matmul %select_n3A_13, %select_n3A_13, %dot_general3A {dimension_numbers = #tpu.dot_dimension_numbers<[2], [2], [1], [1], [0, 0, 0, 1, 1, 1], [0], [0]>, transpose_lhs_hint = false} : vector<512x32x128xf32>, vector<512x32x128xf32>, vector<512x32x32xf32> -> vector<512x32x32xf32>
    %reshape3A = vector.shape_cast %dot_general3A_14 : vector<512x32x32xf32> to vector<512x1024xf32>
    %get3A_15 = arith.constant 0 : index
    %get3A_16 = arith.constant 0 : index
    %get3A_17 = vector.load %arg4[%get3A_15, %get3A_16] : memref<1024x384xf32, #tpu.memory_space<vmem>>, vector<1024x384xf32>
    %dot_general3A_18 = arith.constant dense<0.000000e+00> : vector<512x384xf32>
    %dot_general3A_19 = tpu.matmul %reshape3A, %get3A_17, %dot_general3A_18 {dimension_numbers = #tpu.dot_dimension_numbers<[1], [0], [0], [1], [0, 0, 1, 1], [], []>, transpose_lhs_hint = false} : vector<512x1024xf32>, vector<1024x384xf32>, vector<512x384xf32> -> vector<512x384xf32>
    %get3A_20 = arith.constant 0 : index
    %get3A_21 = arith.constant 0 : index
    %get3A_22 = vector.load %arg3[%get3A_20, %get3A_21] : memref<128x1024xf32, #tpu.memory_space<vmem>>, vector<128x1024xf32>
    %dot_general3A_23 = arith.constant dense<0.000000e+00> : vector<512x1024xf32>
    %dot_general3A_24 = tpu.matmul %get3A_1, %get3A_22, %dot_general3A_23 {dimension_numbers = #tpu.dot_dimension_numbers<[1], [0], [0], [1], [0, 0, 1, 1], [], []>, transpose_lhs_hint = false} : vector<512x128xf32>, vector<128x1024xf32>, vector<512x1024xf32> -> vector<512x1024xf32>
    %get3A_25 = arith.constant 0 : index
    %get3A_26 = arith.constant 0 : index
    %get3A_27 = vector.load %arg5[%get3A_25, %get3A_26] : memref<384x1024xf32, #tpu.memory_space<vmem>>, vector<384x1024xf32>
    %dot_general3A_28 = arith.constant dense<0.000000e+00> : vector<512x1024xf32>
    %dot_general3A_29 = tpu.matmul %dot_general3A_19, %get3A_27, %dot_general3A_28 {dimension_numbers = #tpu.dot_dimension_numbers<[1], [0], [0], [1], [0, 0, 1, 1], [], []>, transpose_lhs_hint = false} : vector<512x384xf32>, vector<384x1024xf32>, vector<512x1024xf32> -> vector<512x1024xf32>
    %add3A = arith.addf %dot_general3A_24, %dot_general3A_29 : vector<512x1024xf32>
    %get3A_30 = arith.constant 0 : index
    %get3A_31 = arith.constant 0 : index
    %get3A_32 = vector.load %arg6[%get3A_30, %get3A_31] : memref<1x1024xf32, #tpu.memory_space<vmem>>, vector<1x1024xf32>
    %add3A_33 = vector.broadcast %get3A_32 : vector<1x1024xf32> to vector<512x1024xf32>
    %add3A_34 = arith.addf %add3A, %add3A_33 : vector<512x1024xf32>
    %max3A = arith.constant 0.000000e+00 : f32
    %max3A_35 = vector.broadcast %max3A : f32 to vector<512x1024xf32>
    %max3A_36 = arith.maximumf %add3A_34, %max3A_35 : vector<512x1024xf32>
    %get3A_37 = arith.constant 0 : index
    %get3A_38 = arith.constant 0 : index
    %get3A_39 = vector.load %arg7[%get3A_37, %get3A_38] : memref<1024x1024xf32, #tpu.memory_space<vmem>>, vector<1024x1024xf32>
    %dot_general3A_40 = arith.constant dense<0.000000e+00> : vector<512x1024xf32>
    %dot_general3A_41 = tpu.matmul %max3A_36, %get3A_39, %dot_general3A_40 {dimension_numbers = #tpu.dot_dimension_numbers<[1], [0], [0], [1], [0, 0, 1, 1], [], []>, transpose_lhs_hint = false} : vector<512x1024xf32>, vector<1024x1024xf32>, vector<512x1024xf32> -> vector<512x1024xf32>
    %get3A_42 = arith.constant 0 : index
    %get3A_43 = arith.constant 0 : index
    %get3A_44 = vector.load %arg8[%get3A_42, %get3A_43] : memref<1x1024xf32, #tpu.memory_space<vmem>>, vector<1x1024xf32>
    %add3A_45 = vector.broadcast %get3A_44 : vector<1x1024xf32> to vector<512x1024xf32>
    %add3A_46 = arith.addf %dot_general3A_41, %add3A_45 : vector<512x1024xf32>
    %max3A_47 = arith.constant 0.000000e+00 : f32
    %max3A_48 = vector.broadcast %max3A_47 : f32 to vector<512x1024xf32>
    %max3A_49 = arith.maximumf %add3A_46, %max3A_48 : vector<512x1024xf32>
    %get3A_50 = arith.constant 0 : index
    %get3A_51 = arith.constant 0 : index
    %get3A_52 = vector.load %arg9[%get3A_50, %get3A_51] : memref<1024x512xf32, #tpu.memory_space<vmem>>, vector<1024x512xf32>
    %dot_general3A_53 = arith.constant dense<0.000000e+00> : vector<512x512xf32>
    %dot_general3A_54 = tpu.matmul %max3A_49, %get3A_52, %dot_general3A_53 {dimension_numbers = #tpu.dot_dimension_numbers<[1], [0], [0], [1], [0, 0, 1, 1], [], []>, transpose_lhs_hint = false} : vector<512x1024xf32>, vector<1024x512xf32>, vector<512x512xf32> -> vector<512x512xf32>
    %get3A_55 = arith.constant 0 : index
    %get3A_56 = arith.constant 0 : index
    %get3A_57 = vector.load %arg10[%get3A_55, %get3A_56] : memref<1x512xf32, #tpu.memory_space<vmem>>, vector<1x512xf32>
    %add3A_58 = vector.broadcast %get3A_57 : vector<1x512xf32> to vector<512x512xf32>
    %add3A_59 = arith.addf %dot_general3A_54, %add3A_58 : vector<512x512xf32>
    %max3A_60 = arith.constant 0.000000e+00 : f32
    %max3A_61 = vector.broadcast %max3A_60 : f32 to vector<512x512xf32>
    %max3A_62 = arith.maximumf %add3A_59, %max3A_61 : vector<512x512xf32>
    %get3A_63 = arith.constant 0 : index
    %get3A_64 = arith.constant 0 : index
    %get3A_65 = vector.load %arg11[%get3A_63, %get3A_64] : memref<512x256xf32, #tpu.memory_space<vmem>>, vector<512x256xf32>
    %dot_general3A_66 = arith.constant dense<0.000000e+00> : vector<512x256xf32>
    %dot_general3A_67 = tpu.matmul %max3A_62, %get3A_65, %dot_general3A_66 {dimension_numbers = #tpu.dot_dimension_numbers<[1], [0], [0], [1], [0, 0, 1, 1], [], []>, transpose_lhs_hint = false} : vector<512x512xf32>, vector<512x256xf32>, vector<512x256xf32> -> vector<512x256xf32>
    %get3A_68 = arith.constant 0 : index
    %get3A_69 = arith.constant 0 : index
    %get3A_70 = vector.load %arg12[%get3A_68, %get3A_69] : memref<1x256xf32, #tpu.memory_space<vmem>>, vector<1x256xf32>
    %add3A_71 = vector.broadcast %get3A_70 : vector<1x256xf32> to vector<512x256xf32>
    %add3A_72 = arith.addf %dot_general3A_67, %add3A_71 : vector<512x256xf32>
    %max3A_73 = arith.constant 0.000000e+00 : f32
    %max3A_74 = vector.broadcast %max3A_73 : f32 to vector<512x256xf32>
    %max3A_75 = arith.maximumf %add3A_72, %max3A_74 : vector<512x256xf32>
    %get3A_76 = arith.constant 0 : index
    %get3A_77 = arith.constant 0 : index
    %get3A_78 = vector.load %arg13[%get3A_76, %get3A_77] : memref<256x1xf32, #tpu.memory_space<vmem>>, vector<256x1xf32>
    %dot_general3A_79 = arith.constant dense<0.000000e+00> : vector<512x1xf32>
    %dot_general3A_80 = tpu.matmul %max3A_75, %get3A_78, %dot_general3A_79 {dimension_numbers = #tpu.dot_dimension_numbers<[1], [0], [0], [1], [0, 0, 1, 1], [], []>, transpose_lhs_hint = false} : vector<512x256xf32>, vector<256x1xf32>, vector<512x1xf32> -> vector<512x1xf32>
    %get3A_81 = arith.constant 0 : index
    %get3A_82 = arith.constant 0 : index
    %get3A_83 = vector.load %arg14[%get3A_81, %get3A_82] : memref<1x1xf32, #tpu.memory_space<vmem>>, vector<1x1xf32>
    %add3A_84 = vector.broadcast %get3A_83 : vector<1x1xf32> to vector<512x1xf32>
    %add3A_85 = arith.addf %dot_general3A_80, %add3A_84 : vector<512x1xf32>
    %swap3A = arith.constant 0 : index
    %swap3A_86 = arith.constant 0 : index
    %swap3A_87 = vector.load %arg15[%swap3A, %swap3A_86] : memref<512x1xf32, #tpu.memory_space<vmem>>, vector<512x1xf32>
    tpu.vector_store %arg15[%swap3A, %swap3A_86], %add3A_85 {strides = array<i32>} : memref<512x1xf32, #tpu.memory_space<vmem>>, vector<512x1xf32>,
    return
  }
  func.func @transform_0(%arg0: i32) -> (i32, i32) {
    %add3A = arith.constant 0 : i32
    %add3A_0 = arith.addi %arg0, %add3A : i32
    %c0_i32 = arith.constant 0 : i32
    %c0_i32_1 = arith.constant 0 : i32
    return %add3A_0, %c0_i32 : i32, i32
  }
  func.func @transform_1(%arg0: i32) -> (i32, i32, i32) {
    %c0_i32 = arith.constant 0 : i32
    %c0_i32_0 = arith.constant 0 : i32
    %c0_i32_1 = arith.constant 0 : i32
    return %arg0, %c0_i32, %c0_i32_0 : i32, i32, i32
  }
  func.func @transform_2(%arg0: i32) -> (i32, i32) {
    %c0_i32 = arith.constant 0 : i32
    %c0_i32_0 = arith.constant 0 : i32
    %c0_i32_1 = arith.constant 0 : i32
    return %c0_i32, %c0_i32_0 : i32, i32
  }
  func.func @transform_3(%arg0: i32) -> (i32, i32) {
    %c0_i32 = arith.constant 0 : i32
    %c0_i32_0 = arith.constant 0 : i32
    %c0_i32_1 = arith.constant 0 : i32
    return %c0_i32, %c0_i32_0 : i32, i32
  }
  func.func @transform_4(%arg0: i32) -> (i32, i32) {
    %c0_i32 = arith.constant 0 : i32
    %c0_i32_0 = arith.constant 0 : i32
    %c0_i32_1 = arith.constant 0 : i32
    return %c0_i32, %c0_i32_0 : i32, i32
  }
  func.func @transform_5(%arg0: i32) -> (i32, i32) {
    %c0_i32 = arith.constant 0 : i32
    %c0_i32_0 = arith.constant 0 : i32
    %c0_i32_1 = arith.constant 0 : i32
    return %c0_i32, %c0_i32_0 : i32, i32
  }
  func.func @transform_6(%arg0: i32) -> (i32, i32) {
    %c0_i32 = arith.constant 0 : i32
    %c0_i32_0 = arith.constant 0 : i32
    %c0_i32_1 = arith.constant 0 : i32
    return %c0_i32, %c0_i32_0 : i32, i32
  }
  func.func @transform_7(%arg0: i32) -> (i32, i32) {
    %c0_i32 = arith.constant 0 : i32
    %c0_i32_0 = arith.constant 0 : i32
    %c0_i32_1 = arith.constant 0 : i32
    return %c0_i32, %c0_i32_0 : i32, i32
  }
  func.func @transform_8(%arg0: i32) -> (i32, i32) {
    %c0_i32 = arith.constant 0 : i32
    %c0_i32_0 = arith.constant 0 : i32
    %c0_i32_1 = arith.constant 0 : i32
    return %c0_i32, %c0_i32_0 : i32, i32
  }
  func.func @transform_9(%arg0: i32) -> (i32, i32) {
    %c0_i32 = arith.constant 0 : i32
    %c0_i32_0 = arith.constant 0 : i32
    %c0_i32_1 = arith.constant 0 : i32
    return %c0_i32, %c0_i32_0 : i32, i32
  }
  func.func @transform_10(%arg0: i32) -> (i32, i32) {
    %c0_i32 = arith.constant 0 : i32
    %c0_i32_0 = arith.constant 0 : i32
    %c0_i32_1 = arith.constant 0 : i32
    return %c0_i32, %c0_i32_0 : i32, i32
  }
  func.func @transform_11(%arg0: i32) -> (i32, i32) {
    %c0_i32 = arith.constant 0 : i32
    %c0_i32_0 = arith.constant 0 : i32
    %c0_i32_1 = arith.constant 0 : i32
    return %c0_i32, %c0_i32_0 : i32, i32
  }
  func.func @transform_12(%arg0: i32) -> (i32, i32) {
    %c0_i32 = arith.constant 0 : i32
    %c0_i32_0 = arith.constant 0 : i32
    %c0_i32_1 = arith.constant 0 : i32
    return %c0_i32, %c0_i32_0 : i32, i32
  }
  func.func @transform_13(%arg0: i32) -> (i32, i32) {
    %c0_i32 = arith.constant 0 : i32
    %c0_i32_0 = arith.constant 0 : i32
    %c0_i32_1 = arith.constant 0 : i32
    return %c0_i32, %c0_i32_0 : i32, i32
  }
  func.func @transform_14(%arg0: i32) -> (i32, i32) {
    %c0_i32 = arith.constant 0 : i32
    %c0_i32_0 = arith.constant 0 : i32
    return %arg0, %c0_i32 : i32, i32
  }
}

module attributes {stable_mosaic.version = 14 : i64} {
  func.func @_tc_body(%arg0: i32, %arg1: memref<512x128xf32, #tpu.memory_space<vmem>>, %arg2: memref<512x32x128xf32, #tpu.memory_space<vmem>>, %arg3: memref<128x1024xf32, #tpu.memory_space<vmem>>, %arg4: memref<1024x384xf32, #tpu.memory_space<vmem>>, %arg5: memref<384x1024xf32, #tpu.memory_space<vmem>>, %arg6: memref<1x1024xf32, #tpu.memory_space<vmem>>, %arg7: memref<1024x1024xf32, #tpu.memory_space<vmem>>, %arg8: memref<1x1024xf32, #tpu.memory_space<vmem>>, %arg9: memref<1024x512xf32, #tpu.memory_space<vmem>>, %arg10: memref<1x512xf32, #tpu.memory_space<vmem>>, %arg11: memref<512x256xf32, #tpu.memory_space<vmem>>, %arg12: memref<1x256xf32, #tpu.memory_space<vmem>>, %arg13: memref<256x1xf32, #tpu.memory_space<vmem>>, %arg14: memref<1x1xf32, #tpu.memory_space<vmem>>, %arg15: memref<512x1xf32, #tpu.memory_space<vmem>>) attributes {dimension_semantics = [#tpu.dimension_semantics<arbitrary>], iteration_bounds = array<i64: 4>, scalar_prefetch = 0 : i64, scratch_operands = 0 : i64, tpu.core_type = #tpu.core_type<tc>, window_params = [{transform_indices = @transform_0, window_bounds = array<i64: 512, 128>}, {transform_indices = @transform_1, window_bounds = array<i64: 512, 32, 128>}, {pipeline_mode = #tpu.pipeline_mode<synchronous>, transform_indices = @transform_2, window_bounds = array<i64: 128, 1024>}, {pipeline_mode = #tpu.pipeline_mode<synchronous>, transform_indices = @transform_3, window_bounds = array<i64: 1024, 384>}, {pipeline_mode = #tpu.pipeline_mode<synchronous>, transform_indices = @transform_4, window_bounds = array<i64: 384, 1024>}, {pipeline_mode = #tpu.pipeline_mode<synchronous>, transform_indices = @transform_5, window_bounds = array<i64: 1, 1024>}, {pipeline_mode = #tpu.pipeline_mode<synchronous>, transform_indices = @transform_6, window_bounds = array<i64: 1024, 1024>}, {pipeline_mode = #tpu.pipeline_mode<synchronous>, transform_indices = @transform_7, window_bounds = array<i64: 1, 1024>}, {pipeline_mode = #tpu.pipeline_mode<synchronous>, transform_indices = @transform_8, window_bounds = array<i64: 1024, 512>}, {pipeline_mode = #tpu.pipeline_mode<synchronous>, transform_indices = @transform_9, window_bounds = array<i64: 1, 512>}, {pipeline_mode = #tpu.pipeline_mode<synchronous>, transform_indices = @transform_10, window_bounds = array<i64: 512, 256>}, {pipeline_mode = #tpu.pipeline_mode<synchronous>, transform_indices = @transform_11, window_bounds = array<i64: 1, 256>}, {pipeline_mode = #tpu.pipeline_mode<synchronous>, transform_indices = @transform_12, window_bounds = array<i64: 256, 1>}, {pipeline_mode = #tpu.pipeline_mode<synchronous>, transform_indices = @transform_13, window_bounds = array<i64: 1, 1>}, {transform_indices = @transform_14, window_bounds = array<i64: 512, 1>}]} {
    %get3A = arith.constant 0 : index
    %get3A_0 = arith.constant 0 : index
    %get3A_1 = vector.load %arg1[%get3A, %get3A_0] : memref<512x128xf32, #tpu.memory_space<vmem>>, vector<512x128xf32>
    %iota3A = tpu.iota {dimensions = array<i32: 1>} : vector<512x32x128xi32>
    %eq3A = arith.constant 31 : i32
    %eq3A_2 = vector.broadcast %eq3A : i32 to vector<512x32x128xi32>
    %eq3A_3 = arith.cmpi eq, %iota3A, %eq3A_2 : vector<512x32x128xi32>
    %broadcast_in_dim3A = vector.shape_cast %get3A_1 : vector<512x128xf32> to vector<512x1x128xf32>
    %le3A = arith.constant 25 : i32
    %le3A_4 = vector.broadcast %le3A : i32 to vector<512x32x128xi32>
    %le3A_5 = arith.cmpi sle, %iota3A, %le3A_4 : vector<512x32x128xi32>
    %get3A_6 = arith.constant 0 : index
    %get3A_7 = arith.constant 0 : index
    %get3A_8 = arith.constant 0 : index
    %get3A_9 = vector.load %arg2[%get3A_6, %get3A_7, %get3A_8] : memref<512x32x128xf32, #tpu.memory_space<vmem>>, vector<512x32x128xf32>
    %jit3A = arith.constant 0.000000e+00 : f32
    %broadcast_in_dim3A_10 = vector.broadcast %jit3A : f32 to vector<512x32x128xf32>
    %select_n3A = arith.select %le3A_5, %get3A_9, %broadcast_in_dim3A_10 : vector<512x32x128xi1>, vector<512x32x128xf32>
    %broadcast_in_dim3A_11 = vector.shape_cast %broadcast_in_dim3A : vector<512x1x128xf32> to vector<512x1x128xf32>
    %broadcast_in_dim3A_12 = vector.broadcast %broadcast_in_dim3A_11 : vector<512x1x128xf32> to vector<512x32x128xf32>
    %select_n3A_13 = arith.select %eq3A_3, %broadcast_in_dim3A_12, %select_n3A : vector<512x32x128xi1>, vector<512x32x128xf32>
    %dot_general3A = arith.constant dense<0.000000e+00> : vector<512x32x32xf32>
    %dot_general3A_14 = tpu.matmul %select_n3A_13, %select_n3A_13, %dot_general3A {dimension_numbers = #tpu.dot_dimension_numbers<[2], [2], [1], [1], [0, 0, 0, 1, 1, 1], [0], [0]>, transpose_lhs_hint = false} : vector<512x32x128xf32>, vector<512x32x128xf32>, vector<512x32x32xf32> -> vector<512x32x32xf32>
    %reshape3A = vector.shape_cast %dot_general3A_14 : vector<512x32x32xf32> to vector<512x1024xf32>
    %get3A_15 = arith.constant 0 : index
    %get3A_16 = arith.constant 0 : index
    %get3A_17 = vector.load %arg4[%get3A_15, %get3A_16] : memref<1024x384xf32, #tpu.memory_space<vmem>>, vector<1024x384xf32>
    %dot_general3A_18 = arith.constant dense<0.000000e+00> : vector<512x384xf32>
    %dot_general3A_19 = tpu.matmul %reshape3A, %get3A_17, %dot_general3A_18 {dimension_numbers = #tpu.dot_dimension_numbers<[1], [0], [0], [1], [0, 0, 1, 1], [], []>, transpose_lhs_hint = false} : vector<512x1024xf32>, vector<1024x384xf32>, vector<512x384xf32> -> vector<512x384xf32>
    %get3A_20 = arith.constant 0 : index
    %get3A_21 = arith.constant 0 : index
    %get3A_22 = vector.load %arg3[%get3A_20, %get3A_21] : memref<128x1024xf32, #tpu.memory_space<vmem>>, vector<128x1024xf32>
    %dot_general3A_23 = arith.constant dense<0.000000e+00> : vector<512x1024xf32>
    %dot_general3A_24 = tpu.matmul %get3A_1, %get3A_22, %dot_general3A_23 {dimension_numbers = #tpu.dot_dimension_numbers<[1], [0], [0], [1], [0, 0, 1, 1], [], []>, transpose_lhs_hint = false} : vector<512x128xf32>, vector<128x1024xf32>, vector<512x1024xf32> -> vector<512x1024xf32>
    %get3A_25 = arith.constant 0 : index
    %get3A_26 = arith.constant 0 : index
    %get3A_27 = vector.load %arg5[%get3A_25, %get3A_26] : memref<384x1024xf32, #tpu.memory_space<vmem>>, vector<384x1024xf32>
    %dot_general3A_28 = arith.constant dense<0.000000e+00> : vector<512x1024xf32>
    %dot_general3A_29 = tpu.matmul %dot_general3A_19, %get3A_27, %dot_general3A_28 {dimension_numbers = #tpu.dot_dimension_numbers<[1], [0], [0], [1], [0, 0, 1, 1], [], []>, transpose_lhs_hint = false} : vector<512x384xf32>, vector<384x1024xf32>, vector<512x1024xf32> -> vector<512x1024xf32>
    %add3A = arith.addf %dot_general3A_24, %dot_general3A_29 : vector<512x1024xf32>
    %get3A_30 = arith.constant 0 : index
    %get3A_31 = arith.constant 0 : index
    %get3A_32 = vector.load %arg6[%get3A_30, %get3A_31] : memref<1x1024xf32, #tpu.memory_space<vmem>>, vector<1x1024xf32>
    %add3A_33 = vector.broadcast %get3A_32 : vector<1x1024xf32> to vector<512x1024xf32>
    %add3A_34 = arith.addf %add3A, %add3A_33 : vector<512x1024xf32>
    %max3A = arith.constant 0.000000e+00 : f32
    %max3A_35 = vector.broadcast %max3A : f32 to vector<512x1024xf32>
    %max3A_36 = arith.maximumf %add3A_34, %max3A_35 : vector<512x1024xf32>
    %get3A_37 = arith.constant 0 : index
    %get3A_38 = arith.constant 0 : index
    %get3A_39 = vector.load %arg7[%get3A_37, %get3A_38] : memref<1024x1024xf32, #tpu.memory_space<vmem>>, vector<1024x1024xf32>
    %dot_general3A_40 = arith.constant dense<0.000000e+00> : vector<512x1024xf32>
    %dot_general3A_41 = tpu.matmul %max3A_36, %get3A_39, %dot_general3A_40 {dimension_numbers = #tpu.dot_dimension_numbers<[1], [0], [0], [1], [0, 0, 1, 1], [], []>, transpose_lhs_hint = false} : vector<512x1024xf32>, vector<1024x1024xf32>, vector<512x1024xf32> -> vector<512x1024xf32>
    %get3A_42 = arith.constant 0 : index
    %get3A_43 = arith.constant 0 : index
    %get3A_44 = vector.load %arg8[%get3A_42, %get3A_43] : memref<1x1024xf32, #tpu.memory_space<vmem>>, vector<1x1024xf32>
    %add3A_45 = vector.broadcast %get3A_44 : vector<1x1024xf32> to vector<512x1024xf32>
    %add3A_46 = arith.addf %dot_general3A_41, %add3A_45 : vector<512x1024xf32>
    %max3A_47 = arith.constant 0.000000e+00 : f32
    %max3A_48 = vector.broadcast %max3A_47 : f32 to vector<512x1024xf32>
    %max3A_49 = arith.maximumf %add3A_46, %max3A_48 : vector<512x1024xf32>
    %get3A_50 = arith.constant 0 : index
    %get3A_51 = arith.constant 0 : index
    %get3A_52 = vector.load %arg9[%get3A_50, %get3A_51] : memref<1024x512xf32, #tpu.memory_space<vmem>>, vector<1024x512xf32>
    %dot_general3A_53 = arith.constant dense<0.000000e+00> : vector<512x512xf32>
    %dot_general3A_54 = tpu.matmul %max3A_49, %get3A_52, %dot_general3A_53 {dimension_numbers = #tpu.dot_dimension_numbers<[1], [0], [0], [1], [0, 0, 1, 1], [], []>, transpose_lhs_hint = false} : vector<512x1024xf32>, vector<1024x512xf32>, vector<512x512xf32> -> vector<512x512xf32>
    %get3A_55 = arith.constant 0 : index
    %get3A_56 = arith.constant 0 : index
    %get3A_57 = vector.load %arg10[%get3A_55, %get3A_56] : memref<1x512xf32, #tpu.memory_space<vmem>>, vector<1x512xf32>
    %add3A_58 = vector.broadcast %get3A_57 : vector<1x512xf32> to vector<512x512xf32>
    %add3A_59 = arith.addf %dot_general3A_54, %add3A_58 : vector<512x512xf32>
    %max3A_60 = arith.constant 0.000000e+00 : f32
    %max3A_61 = vector.broadcast %max3A_60 : f32 to vector<512x512xf32>
    %max3A_62 = arith.maximumf %add3A_59, %max3A_61 : vector<512x512xf32>
    %get3A_63 = arith.constant 0 : index
    %get3A_64 = arith.constant 0 : index
    %get3A_65 = vector.load %arg11[%get3A_63, %get3A_64] : memref<512x256xf32, #tpu.memory_space<vmem>>, vector<512x256xf32>
    %dot_general3A_66 = arith.constant dense<0.000000e+00> : vector<512x256xf32>
    %dot_general3A_67 = tpu.matmul %max3A_62, %get3A_65, %dot_general3A_66 {dimension_numbers = #tpu.dot_dimension_numbers<[1], [0], [0], [1], [0, 0, 1, 1], [], []>, transpose_lhs_hint = false} : vector<512x512xf32>, vector<512x256xf32>, vector<512x256xf32> -> vector<512x256xf32>
    %get3A_68 = arith.constant 0 : index
    %get3A_69 = arith.constant 0 : index
    %get3A_70 = vector.load %arg12[%get3A_68, %get3A_69] : memref<1x256xf32, #tpu.memory_space<vmem>>, vector<1x256xf32>
    %add3A_71 = vector.broadcast %get3A_70 : vector<1x256xf32> to vector<512x256xf32>
    %add3A_72 = arith.addf %dot_general3A_67, %add3A_71 : vector<512x256xf32>
    %max3A_73 = arith.constant 0.000000e+00 : f32
    %max3A_74 = vector.broadcast %max3A_73 : f32 to vector<512x256xf32>
    %max3A_75 = arith.maximumf %add3A_72, %max3A_74 : vector<512x256xf32>
    %get3A_76 = arith.constant 0 : index
    %get3A_77 = arith.constant 0 : index
    %get3A_78 = vector.load %arg13[%get3A_76, %get3A_77] : memref<256x1xf32, #tpu.memory_space<vmem>>, vector<256x1xf32>
    %dot_general3A_79 = arith.constant dense<0.000000e+00> : vector<512x1xf32>
    %dot_general3A_80 = tpu.matmul %max3A_75, %get3A_78, %dot_general3A_79 {dimension_numbers = #tpu.dot_dimension_numbers<[1], [0], [0], [1], [0, 0, 1, 1], [], []>, transpose_lhs_hint = false} : vector<512x256xf32>, vector<256x1xf32>, vector<512x1xf32> -> vector<512x1xf32>
    %get3A_81 = arith.constant 0 : index
    %get3A_82 = arith.constant 0 : index
    %get3A_83 = vector.load %arg14[%get3A_81, %get3A_82] : memref<1x1xf32, #tpu.memory_space<vmem>>, vector<1x1xf32>
    %add3A_84 = vector.broadcast %get3A_83 : vector<1x1xf32> to vector<512x1xf32>
    %add3A_85 = arith.addf %dot_general3A_80, %add3A_84 : vector<512x1xf32>
    %swap3A = arith.constant 0 : index
    %swap3A_86 = arith.constant 0 : index
    %swap3A_87 = vector.load %arg15[%swap3A, %swap3A_86] : memref<512x1xf32, #tpu.memory_space<vmem>>, vector<512x1xf32>
    tpu.vector_store %arg15[%swap3A, %swap3A_86], %add3A_85 {strides = array<i32>} : memref<512x1xf32, #tpu.memory_space<vmem>>, vector<512x1xf32>,
    return
  }
  func.func @transform_0(%arg0: i32) -> (i32, i32) {
    %add3A = arith.constant 4 : i32
    %add3A_0 = arith.addi %arg0, %add3A : i32
    %c0_i32 = arith.constant 0 : i32
    %c0_i32_1 = arith.constant 0 : i32
    return %add3A_0, %c0_i32 : i32, i32
  }
  func.func @transform_1(%arg0: i32) -> (i32, i32, i32) {
    %c0_i32 = arith.constant 0 : i32
    %c0_i32_0 = arith.constant 0 : i32
    %c0_i32_1 = arith.constant 0 : i32
    return %arg0, %c0_i32, %c0_i32_0 : i32, i32, i32
  }
  func.func @transform_2(%arg0: i32) -> (i32, i32) {
    %c0_i32 = arith.constant 0 : i32
    %c0_i32_0 = arith.constant 0 : i32
    %c0_i32_1 = arith.constant 0 : i32
    return %c0_i32, %c0_i32_0 : i32, i32
  }
  func.func @transform_3(%arg0: i32) -> (i32, i32) {
    %c0_i32 = arith.constant 0 : i32
    %c0_i32_0 = arith.constant 0 : i32
    %c0_i32_1 = arith.constant 0 : i32
    return %c0_i32, %c0_i32_0 : i32, i32
  }
  func.func @transform_4(%arg0: i32) -> (i32, i32) {
    %c0_i32 = arith.constant 0 : i32
    %c0_i32_0 = arith.constant 0 : i32
    %c0_i32_1 = arith.constant 0 : i32
    return %c0_i32, %c0_i32_0 : i32, i32
  }
  func.func @transform_5(%arg0: i32) -> (i32, i32) {
    %c0_i32 = arith.constant 0 : i32
    %c0_i32_0 = arith.constant 0 : i32
    %c0_i32_1 = arith.constant 0 : i32
    return %c0_i32, %c0_i32_0 : i32, i32
  }
  func.func @transform_6(%arg0: i32) -> (i32, i32) {
    %c0_i32 = arith.constant 0 : i32
    %c0_i32_0 = arith.constant 0 : i32
    %c0_i32_1 = arith.constant 0 : i32
    return %c0_i32, %c0_i32_0 : i32, i32
  }
  func.func @transform_7(%arg0: i32) -> (i32, i32) {
    %c0_i32 = arith.constant 0 : i32
    %c0_i32_0 = arith.constant 0 : i32
    %c0_i32_1 = arith.constant 0 : i32
    return %c0_i32, %c0_i32_0 : i32, i32
  }
  func.func @transform_8(%arg0: i32) -> (i32, i32) {
    %c0_i32 = arith.constant 0 : i32
    %c0_i32_0 = arith.constant 0 : i32
    %c0_i32_1 = arith.constant 0 : i32
    return %c0_i32, %c0_i32_0 : i32, i32
  }
  func.func @transform_9(%arg0: i32) -> (i32, i32) {
    %c0_i32 = arith.constant 0 : i32
    %c0_i32_0 = arith.constant 0 : i32
    %c0_i32_1 = arith.constant 0 : i32
    return %c0_i32, %c0_i32_0 : i32, i32
  }
  func.func @transform_10(%arg0: i32) -> (i32, i32) {
    %c0_i32 = arith.constant 0 : i32
    %c0_i32_0 = arith.constant 0 : i32
    %c0_i32_1 = arith.constant 0 : i32
    return %c0_i32, %c0_i32_0 : i32, i32
  }
  func.func @transform_11(%arg0: i32) -> (i32, i32) {
    %c0_i32 = arith.constant 0 : i32
    %c0_i32_0 = arith.constant 0 : i32
    %c0_i32_1 = arith.constant 0 : i32
    return %c0_i32, %c0_i32_0 : i32, i32
  }
  func.func @transform_12(%arg0: i32) -> (i32, i32) {
    %c0_i32 = arith.constant 0 : i32
    %c0_i32_0 = arith.constant 0 : i32
    %c0_i32_1 = arith.constant 0 : i32
    return %c0_i32, %c0_i32_0 : i32, i32
  }
  func.func @transform_13(%arg0: i32) -> (i32, i32) {
    %c0_i32 = arith.constant 0 : i32
    %c0_i32_0 = arith.constant 0 : i32
    %c0_i32_1 = arith.constant 0 : i32
    return %c0_i32, %c0_i32_0 : i32, i32
  }
  func.func @transform_14(%arg0: i32) -> (i32, i32) {
    %c0_i32 = arith.constant 0 : i32
    %c0_i32_0 = arith.constant 0 : i32
    return %arg0, %c0_i32 : i32, i32
  }
}

</mosaic_0001>

<sc_bundles>
// kernel: kernel.10.cloned.1.call-start
scs
__scs_entry_jumppad:
0x0: {  	(pc) =	sbr.rel $0x88, $3  }
0x1: {  	(tag) =	ssettag $0x0;
	lr =	simm.s32 $0x1  }
0x2: {  	[smem:$0x3F8F] =	sst lr;
	_ =	strace $0xD0000000  }
0x3: {  	_ = 	snop  }
0x4: {  	_ = 	snop  }
0x5: {  	_ = 	snop  }
0x6: {  	_ = 	snop  }
0x7: {  	_ = 	snop  }
__scs_overlays_trampoline_lowered:
0x8: {  	[smem:$0x3F9E] =	sst s0  }
0x9: {  	[smem:$0x3F9F] =	sst s1  }
0xa: {  	[smem:$0x3FA0] =	sst s2  }
0xb: {  	[smem:$0x3FA1] =	sst s3  }
0xc: {  	[smem:$0x3FA2] =	sst s4  }
0xd: {  	[smem:$0x3FA3] =	sst s5  }
0xe: {  	[smem:$0x3FA4] =	sst s6  }
0xf: {  	[smem:$0x3FA5] =	sst s7  }
0x10: {  	[smem:$0x3FA6] =	sst s8  }
0x11: {  	[smem:$0x3FA7] =	sst s9;
	s0 =	simm.s32 @!p0 $0x0  }
0x12: {  	s1 =	sld [smem:$0x3F8D];
	s0 =	simm.s32 @p0 $0x1  }
0x13: {  	[smem:$0x3FA8] =	sst s0;
	s0 =	simm.s32 @!p1 $0x0  }
0x14: {  	s2 =	sld [smem:$0x3F8C];
	s0 =	simm.s32 @p1 $0x1  }
0x15: {  	[smem:$0x3FA9] =	sst s0;
	s0 =	simm.s32 @!p2 $0x0  }
0x16: {  	s3 =	sld [smem:$0x3FDB];
	s0 =	simm.s32 @p2 $0x1  }
0x17: {  	s4 =	simm.s32 $0x1BF5;
	[smem:$0x3FAB] =	sst s0  }
0x18: {  	s0 =	sld [smem:$0x3F8E];
	_ =	swait.ge [sflag:s4], $0x0  }
0x19: {  	s7 =	sld [smem:$0x3F8F]  }
0x1a: {  	s8 =	sadd.s32 $0xFFFFE003, lr  }
0x1b: {  	s9 =	sadd.s32 $0xFFFFFEF7, lr;
	s5 =	simm.s32 $0xFFFFFFFF;
	p2 =	slt.u32 s8, $0xFFFFF086  }
0x1c: {  	p1 =	slt.u32 s9, $0xF7A;
	s5 =	simm.s32 @!p2 $0x0  }
0x1d: {  	s5 =	simm.s32 @p1 $0x1;
	p0 =	seq.s32 s7, s2  }
0x1e: {  	s7 =	smul.u32 @!p0 $0xF7A, s2;
	p2 =	seq.s32 @!p0 s5, $0x0  }
0x1f: {  	s9 =	smul.u32 $0xF7A, s1;
	s8 =	simm.s32 @!p0 $0x1BF5;
	p2 =	por !p2, p0  }
0x20: {  	[sflag:s8] =	ssyncset.s32 @!p0 $0xFFFFF086;
	s6 =	sadd.s32 @!p0 s3, s7;
	s7 =	simm.s32 @!p0 $0x108  }
0x21: {  	s3 =	sadd.s32 s3, s9;
	s6 =	sadd.s32 @!p0 $0x88, s6;
	s7 =	simm.s32 @p2 $0x1082  }
0x22: {  	[simem:s7], [sflag:s8] =	dma.local @!p0 [hbm:s6], $0xF7A  }
0x23: {  	s9 =	sor.u32 $0xD0000000, s2;
	s6 =	simm.s32 $0x108;
	_ =	swait.ge @!p0 [sflag:s8], $0x0  }
0x24: {  	s3 =	sadd.s32 $0x88, s3;
	s6 =	simm.s32 @!p1 $0x1082;
	[sflag:s4] =	ssyncset.s32 $0xFFFFF086  }
0x25: {  	[simem:s6], [sflag:s4] =	dma.local [hbm:s3], $0xF7A  }
0x26: {  	[smem:$0x3F8F] =	sst s1;
	(tag) =	ssettag s2;
	_ =	strace s9  }
0x27: {  	s1 =	sld [smem:$0x3F9F]  }
0x28: {  	s2 =	sld [smem:$0x3FA0]  }
0x29: {  	s4 =	sld [smem:$0x3FA2]  }
0x2a: {  	p0 =	seq.s32 s5, $0x0;
	s5 =	sld [smem:$0x3FA3]  }
0x2b: {  	s6 =	sld [smem:$0x3FA4]  }
0x2c: {  	s7 =	sld [smem:$0x3FA5]  }
0x2d: {  	s3 =	simm.s32 $0x108;
	s8 =	sld [smem:$0x3FA6]  }
0x2e: {  	s3 =	simm.s32 @!p0 $0x1082;
	s9 =	sld [smem:$0x3FA7]  }
0x2f: {  	lr =	sadd.s32 s0, s3;
	s0 =	sld [smem:$0x3F9E]  }
0x30: {  	s3 =	sld [smem:$0x3FA1]  }
0x31: {  	[smem:$0x3FAA] =	sst s10  }
0x32: {  	s10 =	sld [smem:$0x3FA8];
	_ =	sdelay $0x3  }
0x33: {  	p0 =	seq.s32 s10, $0x1;
	s10 =	sld [smem:$0x3FAA];
	_ =	sdelay $0x3  }
0x34: {  	[smem:$0x3FAA] =	sst s10  }
0x35: {  	s10 =	sld [smem:$0x3FA9];
	_ =	sdelay $0x3  }
0x36: {  	p1 =	seq.s32 s10, $0x1;
	s10 =	sld [smem:$0x3FAA];
	_ =	sdelay $0x3  }
0x37: {  	[smem:$0x3FAA] =	sst s10  }
0x38: {  	s10 =	sld [smem:$0x3FAB]  }
0x39: {  	_ = 	snop;
	(pc) =	sbr.ind lr, $3  }
0x3a: {  	_ = 	snop  }
0x3b: {  	_ = 	snop  }
0x3c: {  	p2 =	seq.s32 s10, $0x1;
	s10 =	sld [smem:$0x3FAA]  }
0x3d: {  	_ =	shalt  }
0x3e: {  	_ =	shalt  }
0x3f: {  	_ =	shalt  }
0x40: {  	_ =	shalt  }
0x41: {  	_ =	shalt  }
0x42: {  	_ =	shalt  }
0x43: {  	_ =	shalt  }
0x44: {  	_ =	shalt  }
0x45: {  	_ =	shalt  }
0x46: {  	_ =	shalt  }
0x47: {  	_ =	shalt  }
0x48: {  	_ =	shalt  }
0x49: {  	_ =	shalt  }
0x4a: {  	_ =	shalt  }
0x4b: {  	_ =	shalt  }
0x4c: {  	_ =	shalt  }
0x4d: {  	_ =	shalt  }
0x4e: {  	_ =	shalt  }
0x4f: {  	_ =	shalt  }
0x50: {  	_ =	shalt  }
0x51: {  	_ =	shalt  }
0x52: {  	_ =	shalt  }
0x53: {  	_ =	shalt  }
0x54: {  	_ =	shalt  }
0x55: {  	_ =	shalt  }
0x56: {  	_ =	shalt  }
0x57: {  	_ =	shalt  }
0x58: {  	_ =	shalt  }
0x59: {  	_ =	shalt  }
0x5a: {  	_ =	shalt  }
0x5b: {  	_ =	shalt  }
0x5c: {  	_ =	shalt  }
0x5d: {  	_ =	shalt  }
0x5e: {  	_ =	shalt  }
0x5f: {  	_ =	shalt  }
0x60: {  	_ =	shalt  }
0x61: {  	_ =	shalt  }
0x62: {  	_ =	shalt  }
0x63: {  	_ =	shalt  }
0x64: {  	_ =	shalt  }
0x65: {  	_ =	shalt  }
0x66: {  	_ =	shalt  }
0x67: {  	_ =	shalt  }
0x68: {  	_ =	shalt  }
0x69: {  	_ =	shalt  }
0x6a: {  	_ =	shalt  }
0x6b: {  	_ =	shalt  }
0x6c: {  	_ =	shalt  }
0x6d: {  	_ =	shalt  }
0x6e: {  	_ =	shalt  }
0x6f: {  	_ =	shalt  }
0x70: {  	_ =	shalt  }
0x71: {  	_ =	shalt  }
0x72: {  	_ =	shalt  }
0x73: {  	_ =	shalt  }
0x74: {  	_ =	shalt  }
0x75: {  	_ =	shalt  }
0x76: {  	_ =	shalt  }
0x77: {  	_ =	shalt  }
0x78: {  	_ =	shalt  }
0x79: {  	_ =	shalt  }
0x7a: {  	_ =	shalt  }
0x7b: {  	_ =	shalt  }
0x7c: {  	_ =	shalt  }
0x7d: {  	_ =	shalt  }
0x7e: {  	_ =	shalt  }
0x7f: {  	_ =	shalt  }
0x80: {  	_ =	shalt  }
0x81: {  	_ =	shalt  }
0x82: {  	_ =	shalt  }
0x83: {  	_ =	shalt  }
0x84: {  	_ =	shalt  }
0x85: {  	_ =	shalt  }
0x86: {  	_ =	shalt  }
0x87: {  	_ =	shalt  }
.Lfunc_end0:
.L_simem_size_0:
called_computation.1_lowered:
.L_overlay_start_0:
0x88: {  	s2 =	sld [smem:$0x3FD9]  }
0x89: {  	s3 =	sld [smem:$0x3FFE];
	_ =	sdelay $0x1  }
0x8a: {  	s1 =	srdreg.scid  }
0x8b: {  	s0 =	sand.u32 $0x1, s1  }
0x8c: {  	s17 =	sshll.u32 s0, $0xA;
	s2 =	sadd.s32 s3, s2  }
0x8d: {  	s2 =	sadd.s32 s2, s17  }
0x8e: {  	[smem:$0x3FB6] =	sst s2  }
0x8f: {  	_ = 	snop  }
0x90: {  	s18 =	sld [smem:$0x3FC8];
	(tm) =	ssettm $0x1  }
0x91: {  	s19 =	sld [smem:$0x3FFB];
	_ =	sdelay $0x3  }
0x92: {  	_ =	strace s19  }
0x93: {  	s2 =	sld [smem:$0x3FFC];
	_ =	sdelay $0x3  }
0x94: {  	_ =	strace s2  }
0x95: {  	s2 =	sld [smem:$0x3FFD];
	_ =	sdelay $0x3  }
0x96: {  	_ =	strace s2  }
0x97: {  	_ =	strace $0x8FFFFFFF  }
0x98: {  	s20 =	sld [smem:$0x3FDB];
	_ =	sdelay $0x1  }
0x99: {  	s4 =	simm.s32 $_scs_section_size  }
0x9a: {  	s5 =	simm.s32 $_size__tile_overlayer_lowered;
	s6 =	simm.s32 $_tile_overlayer_lowered  }
0x9b: {  	s7 =	simm.s32 $0x1BFF;
	s21 =	sshll.u32 s6, $0x1;
	s4 =	sadd.s32 s4, s20  }
0x9c: {  	s22 =	simm.s32 $0x0;
	s5 =	sshll.u32 s5, $0x1;
	s6 =	sadd.s32 s21, s4  }
0x9d: {  	[timem:s22], [sflag:s7] =	dma.local [hbm:s6], s5  }
0x9e: {  	_ =	swait.ge [sflag:s7], s5  }
0x9f: {  	s5 =	ssub.s32 $0x0, s5;
	[sflag:s7] =	ssyncset.done $0x0  }
0xa0: {  	[sflag:s7] =	ssyncadd.s32 s5;
	_ =	sdelay $0x1  }
0xa1: {  	s23 =	simm.s32 $0x1B8B  }
0xa2: {  	_ =	swait.ge [sflag:s23], $0x1  }
0xa3: {  	[sflag:s23] =	ssyncset.done $0x0  }
0xa4: {  	[sflag:s23] =	ssyncadd.s32 $0xFFFFFFFF  }
0xa5: {  	s5 =	sld [smem:$0x0]  }
0xa6: {  	s6 =	sand.u32 $0xFFFFFFFE, s1  }
0xa7: {  	p0 =	sne.s32 s1, s6  }
0xa8: {  	s6 =	sshll.u32 @p0 s6, $0xE  }
0xa9: {  	s6 =	sadd.s32 @p0 $0x11B8D, s6;
	s7 =	sshll.u32 @p0 s5, $0x11  }
0xaa: {  	s6 =	sor.u32 @p0 s7, s6  }
0xab: {  	[sflag:s6] =	ssyncadd.remote.s32 @p0 $0x1;
	_ =	sdelay $0x1  }
0xac: {  	s6 =	simm.s32 @p0 $0x1B8D  }
0xad: {  	_ =	swait.eq @p0 [sflag:s6], $0x1  }
0xae: {  	[sflag:s6] =	ssyncadd.s32 @p0 $0xFFFFFFFF  }
0xaf: {  	s7 =	sshll.u32 @!p0 s1, $0xE  }
0xb0: {  	s7 =	sor.u32 @!p0 $0x4000, s7;
	s6 =	simm.s32 @!p0 $0x1B8D  }
0xb1: {  	s5 =	sshll.u32 @!p0 s5, $0x11;
	s7 =	sadd.s32 @!p0 $0x11B8D, s7;
	_ =	swait.eq @!p0 [sflag:s6], $0x1  }
0xb2: {  	s5 =	sor.u32 @!p0 s5, s7;
	[sflag:s6] =	ssyncadd.s32 @!p0 $0xFFFFFFFF  }
0xb3: {  	s25 =	simm.s32 $0x1B8E;
	s24 =	sld [smem:$0x3FFE];
	[sflag:s5] =	ssyncadd.remote.s32 @!p0 $0x1  }
0xb4: {  	s26 =	simm.s32 $execute0_lowered;
	[smem:$0x3FD2] =	sst s25  }
0xb5: {  	s6 =	sshll.u32 s26, $0x1;
	_ =	strace $0x80000049;
	[dreg:$0x1] =	wrdreg $0xFFFFFFFF  }
0xb6: {  	s28 =	simm.s32 $_size_execute0_lowered;
	s4 =	sadd.s32 s4, s6;
	[dreg:$0x0] =	wrdreg $0x0  }
0xb7: {  	s6 =	sshll.u32 s28, $0x1;
	[dreg:$0x2] =	wrdreg s4  }
0xb8: {  	[dreg:$0x3] =	wrdreg s6  }
0xb9: {  	[dreg:$0x4] =	wrdreg $0xC0  }
0xba: {  	_ =	task [dreg:s22], $0x5FFFF  }
0xbb: {  	[dreg:$0x1] =	wrdreg $0xFFFFFFFF  }
0xbc: {  	[dreg:$0x0] =	wrdreg $0x60  }
0xbd: {  	[dreg:$0x2] =	wrdreg s18  }
0xbe: {  	[dreg:$0x3] =	wrdreg s24  }
0xbf: {  	[dreg:$0x4] =	wrdreg $0xA  }
0xc0: {  	_ =	task.clear_ibuf [dreg:s22], $0x5FFFF;
	_ =	strace $0x90000049  }
0xc1: {  	s29 =	simm.s32 $0xA;
	_ =	strace $0x8000004B  }
0xc2: {  	_ =	swait.ge [sflag:s29], $0x1  }
0xc3: {  	[sflag:s29] =	ssyncadd.s32 $0xFFFFFFFF  }
0xc4: {  	_ =	strace $0x9000004B  }
0xc5: {  	_ =	sfence  }
0xc6: {  	s30 =	sld [smem:$0x0];
	_ =	sdelay $0x2  }
0xc7: {  	s31 =	sshll.u32 s1, $0xD;
	s1 =	sshrl.u32 s1, $0x2  }
0xc8: {  	s4 =	sand.u32 $0x4000, s31;
	s1 =	sadd.s32 s1, s30  }
0xc9: {  	s0 =	sor.u32 s4, s0;
	s1 =	sshll.u32 s1, $0x11  }
0xca: {  	s0 =	sor.u32 s1, s0  }
0xcb: {  	s0 =	sadd.s32 $0x8F2B, s0  }
0xcc: {  	[sflag:s0] =	ssyncadd.remote.s32 $0x1  }
0xcd: {  	_ =	sfence.sel $0xFFFF  }
0xce: {  	[dreg:$0x0] =	wrdreg $0xFFFFFFFF;
	(pc) =	sbr.abs _section_cstart, $3  }
0xcf: {  	[dreg:$0x1] =	wrdreg $0xFFFFFFFF  }
0xd0: {  	_ =	task.clear_ibuf [dreg:s22], $0x2FFFF;
	_ =	strace $0x9FFFFFFF  }
0xd1: {  	(tm) =	ssettm $0x7FFFFFFF  }
tec
execute0_lowered:
.L_overlay_start_1:
0x0: {  	(tag) =	ssettag $0x1  }
0x1: {  	s2 =	rddreg [dreg:$0x0]  }
0x2: {  	s0 =	rddreg [dreg:$0x1]  }
0x3: {  	s1 =	srdreg.scid;
	s9 =	stileid.u32  }
0x4: {  	s3 =	simm.s32 $0x0;
	s11 =	simm.s32 $0x9;
	s12 =	simm.s32 $0x40  }
0x5: {  	s13 =	simm.s32 $0x1000;
	s14 =	simm.s32 $0x3000;
	s15 =	simm.s32 $0x1  }
0x6: {  	s16 =	simm.s32 $0x80;
	s17 =	simm.s32 $0x5000;
	s18 =	simm.s32 $0x2  }
0x7: {  	s19 =	simm.s32 $0x7000;
	s20 =	simm.s32 $0x3;
	s21 =	simm.s32 $0x4  }
0x8: {  	s22 =	simm.s32 $0x5;
	s23 =	simm.s32 $0x6;
	s24 =	simm.s32 $0x7  }
0x9: {  	s29 =	simm.s32 $0x0;
	s1 =	sand.u32 $0x1, s1;
	s4 =	sshll.u32 s9, $0x1  }
0xa: {  	[smem:$0x7FF] =	sst s3;
	s9 =	sshll.u32 s9, $0x13;
	s6 =	sor.u32 s1, s4  }
0xb: {  	s5 =	ssub.s32 $0x2, s1;
	_ =	strace $0x8000004A;
	s1 =	sshll.u32 s1, $0x12  }
0xc: {  	s4 =	sshll.u32 s6, $0x9;
	s7 =	sshrl.u32 s5, $0x1;
	s26 =	sshll.u32 s6, $0xF  }
0xd: {  	s1 =	sor.u32 s1, s9;
	s6 =	sshll.u32 s6, $0x12;
	s8 =	sadd.s32 s4, s0  }
0xe: {  	s4 =	sadd.s32 $0x10B000, s0;
	s25 =	ssub.s32 s5, s7;
	s1 =	sshrl.u32 s1, $0x3  }
0xf: {  	s28 =	sadd.s32 $0x7000, s8;
	s30 =	sadd.s32 s26, s4;
	s9 =	smax.u32 s25, $0x1  }
0x10: {  	s10 =	sadd.s32 s1, s4;
	[dreg:$0x3] =	wrdreg s28;
	s31 =	sadd.s32 $0x180, s30  }
0x11: {  	s25 =	simm.s32 $0x8;
	s8 =	sadd.s32 $0x190, s30;
	[dreg:$0x4] =	wrdreg s31  }
.LBB2_1:
0x12: {  	s0 =	rddreg [dreg:$0x3]  }
0x13: {  	[tilespmem:s3], [sflag:$0x9] =	stream.linear.gather [hbm4b:s0+s3], $0xD00, $0x38;
	[tilespmem:$0x9000] =	vst v63  }
0x14: {  	_ =	swait.ge [sflag:s11], $0xD00  }
0x15: {  	[sflag:s11] =	ssyncset.done $0x0  }
0x16: {  	[sflag:s11] =	ssyncadd.s32 $0xFFFFF300  }
0x17: {  	[tilespmem:s13], [sflag:$0x1] =	stream.indirect.gather [hbm4b:s2+s12], $0x80, s3, s12, $0xb8;
	[tilespmem:$0x9000] =	vst v63  }
0x18: {  	s5 =	simm.s32 $0x80  }
0x19: {  	[tilespmem:s14], [sflag:$0x2] =	stream.indirect.gather [hbm4b:s2+s12], $0x80, s5, s12, $0xb8;
	[tilespmem:$0x9000] =	vst v63  }
0x1a: {  	_ =	swait.ge [sflag:s15], $0x2000  }
0x1b: {  	s7 =	simm.s32 $0x80;
	[sflag:s15] =	ssyncset.done $0x0  }
0x1c: {  	s0 =	sand.u32 $0x280, s7;
	[sflag:s15] =	ssyncadd.s32 $0xFFFFE000  }
0x1d: {  	[hbm4b:s10+s16] =	stream.strided.scatter [tilespmem:s13], [sflag:$0x5], $0x2000, s13, s16, $0x38;
	[tilespmem:$0x9000] =	vst v63  }
0x1e: {  	s1 =	simm.s32 $0x100;
	s30 =	sand.u32 $0xC00, s3;
	s0 =	sor.u32 s0, s6  }
0x1f: {  	[tilespmem:s17], [sflag:$0x3] =	stream.indirect.gather [hbm4b:s2+s12], $0x80, s1, s12, $0xb8;
	[tilespmem:$0x9000] =	vst v63  }
0x20: {  	s0 =	sor.u32 s30, s0;
	_ =	swait.ge [sflag:s18], $0x2000  }
0x21: {  	s26 =	simm.s32 $0x100;
	s0 =	sshrl.u32 s0, $0x3;
	[sflag:s18] =	ssyncset.done $0x0  }
0x22: {  	s0 =	sadd.s32 s4, s0;
	s1 =	sand.u32 $0x300, s26;
	[sflag:s18] =	ssyncadd.s32 $0xFFFFE000  }
0x23: {  	[hbm4b:s0+s16] =	stream.strided.scatter [tilespmem:s14], [sflag:$0x6], $0x2000, s13, s16, $0x38;
	[tilespmem:$0x9000] =	vst v63  }
0x24: {  	s28 =	simm.s32 $0x180;
	s1 =	sor.u32 s1, s6  }
0x25: {  	[tilespmem:s19], [sflag:$0x4] =	stream.indirect.gather [hbm4b:s2+s12], $0x80, s28, s12, $0xb8;
	[tilespmem:$0x9000] =	vst v63  }
0x26: {  	s1 =	sor.u32 s30, s1;
	_ =	swait.ge [sflag:s20], $0x2000  }
0x27: {  	s1 =	sshrl.u32 s1, $0x3;
	s0 =	sand.u32 $0x380, s28;
	[sflag:s20] =	ssyncset.done $0x0  }
0x28: {  	s1 =	sadd.s32 s4, s1;
	s0 =	sor.u32 s0, s6;
	[sflag:s20] =	ssyncadd.s32 $0xFFFFE000  }
0x29: {  	[hbm4b:s1+s16] =	stream.strided.scatter [tilespmem:s17], [sflag:$0x7], $0x2000, s13, s16, $0x38;
	[tilespmem:$0x9000] =	vst v63  }
0x2a: {  	s0 =	sor.u32 s30, s0;
	_ =	swait.ge [sflag:s21], $0x2000  }
0x2b: {  	s0 =	sshrl.u32 s0, $0x3;
	[sflag:s21] =	ssyncset.done $0x0  }
0x2c: {  	s0 =	sadd.s32 s4, s0;
	[sflag:s21] =	ssyncadd.s32 $0xFFFFE000  }
0x2d: {  	[hbm4b:s0+s16] =	stream.strided.scatter [tilespmem:s19], [sflag:$0x8], $0x2000, s13, s16, $0x38;
	[tilespmem:$0x9000] =	vst v63  }
0x2e: {  	_ =	swait.ge [sflag:s22], $0x2000  }
0x2f: {  	[sflag:s22] =	ssyncset.done $0x0  }
0x30: {  	[sflag:s22] =	ssyncadd.s32 $0xFFFFE000  }
0x31: {  	_ =	swait.ge [sflag:s23], $0x2000  }
0x32: {  	[sflag:s23] =	ssyncset.done $0x0  }
0x33: {  	[sflag:s23] =	ssyncadd.s32 $0xFFFFE000  }
0x34: {  	s31 =	simm.s32 $0x200;
	_ =	swait.ge [sflag:s24], $0x2000  }
0x35: {  	s30 =	sadd.s32 $0x40, s10;
	s0 =	simm.s32 $0x200;
	[sflag:s24] =	ssyncset.done $0x0  }
.LBB2_2:
0x36: {  	s26 =	sadd.s32 $0x180, s0  }
0x37: {  	[sflag:s24] =	ssyncadd.s32 $0xFFFFE000;
	s28 =	smov.u32 s0;
	s1 =	sadd.s32 $0x200, s0  }
0x38: {  	p0 =	sne.s32 s0, $0xA00;
	s26 =	sand.u32 $0x380, s26;
	_ =	swait.ge [sflag:s25], $0x2000  }
0x39: {  	s0 =	sor.u32 s26, s6;
	[sflag:s25] =	ssyncset.done $0x0  }
0x3a: {  	[sflag:s25] =	ssyncadd.s32 $0xFFFFE000  }
0x3b: {  	[tilespmem:s13], [sflag:$0x1] =	stream.indirect.gather [hbm4b:s2+s12], $0x80, s31, s12, $0xb8;
	[tilespmem:$0x9000] =	vst v63  }
0x3c: {  	s5 =	sadd.s32 $0x80, s28;
	s26 =	sadd.s32 $0x80, s31  }
0x3d: {  	[tilespmem:s14], [sflag:$0x2] =	stream.indirect.gather [hbm4b:s2+s12], $0x80, s26, s12, $0xb8;
	[tilespmem:$0x9000] =	vst v63  }
0x3e: {  	s5 =	sand.u32 $0x280, s5;
	s26 =	sadd.s32 $0x100, s31;
	_ =	swait.ge [sflag:s15], $0x2000  }
0x3f: {  	s7 =	sand.u32 $0xC00, s28;
	s5 =	sor.u32 s5, s6;
	[sflag:s15] =	ssyncset.done $0x0  }
0x40: {  	s0 =	sor.u32 s7, s0;
	s5 =	sor.u32 s7, s5;
	[sflag:s15] =	ssyncadd.s32 $0xFFFFE000  }
0x41: {  	[hbm4b:s30+s16] =	stream.strided.scatter [tilespmem:s13], [sflag:$0x5], $0x2000, s13, s16, $0x38;
	[tilespmem:$0x9000] =	vst v63  }
0x42: {  	s0 =	sshrl.u32 s0, $0x3;
	s5 =	sshrl.u32 s5, $0x3  }
0x43: {  	[tilespmem:s17], [sflag:$0x3] =	stream.indirect.gather [hbm4b:s2+s12], $0x80, s26, s12, $0xb8;
	[tilespmem:$0x9000] =	vst v63  }
0x44: {  	s5 =	sadd.s32 s4, s5;
	s26 =	sadd.s32 $0x100, s28;
	_ =	swait.ge [sflag:s18], $0x2000  }
0x45: {  	s28 =	sadd.s32 $0x180, s31;
	s26 =	sand.u32 $0x300, s26;
	[sflag:s18] =	ssyncset.done $0x0  }
0x46: {  	s26 =	sor.u32 s26, s6;
	[sflag:s18] =	ssyncadd.s32 $0xFFFFE000  }
0x47: {  	[hbm4b:s5+s16] =	stream.strided.scatter [tilespmem:s14], [sflag:$0x6], $0x2000, s13, s16, $0x38;
	[tilespmem:$0x9000] =	vst v63  }
0x48: {  	s5 =	sor.u32 s7, s26  }
0x49: {  	[tilespmem:s19], [sflag:$0x4] =	stream.indirect.gather [hbm4b:s2+s12], $0x80, s28, s12, $0xb8;
	[tilespmem:$0x9000] =	vst v63  }
0x4a: {  	s5 =	sshrl.u32 s5, $0x3;
	_ =	swait.ge [sflag:s20], $0x2000  }
0x4b: {  	s5 =	sadd.s32 s4, s5;
	[sflag:s20] =	ssyncset.done $0x0  }
0x4c: {  	[sflag:s20] =	ssyncadd.s32 $0xFFFFE000  }
0x4d: {  	[hbm4b:s5+s16] =	stream.strided.scatter [tilespmem:s17], [sflag:$0x7], $0x2000, s13, s16, $0x38;
	[tilespmem:$0x9000] =	vst v63  }
0x4e: {  	_ =	swait.ge [sflag:s21], $0x2000  }
0x4f: {  	s0 =	sadd.s32 s4, s0;
	[sflag:s21] =	ssyncset.done $0x0  }
0x50: {  	[sflag:s21] =	ssyncadd.s32 $0xFFFFE000  }
0x51: {  	[hbm4b:s0+s16] =	stream.strided.scatter [tilespmem:s19], [sflag:$0x8], $0x2000, s13, s16, $0x38;
	[tilespmem:$0x9000] =	vst v63  }
0x52: {  	_ =	swait.ge [sflag:s22], $0x2000  }
0x53: {  	[sflag:s22] =	ssyncset.done $0x0  }
0x54: {  	[sflag:s22] =	ssyncadd.s32 $0xFFFFE000  }
.Ltmp0:
0x55: {  	_ =	swait.ge [sflag:s23], $0x2000;
	(pc) =	sbr.rel @p0 .LBB2_2-.Ltmp0, $4  }
0x56: {  	[sflag:s23] =	ssyncset.done $0x0  }
0x57: {  	[sflag:s23] =	ssyncadd.s32 $0xFFFFE000  }
0x58: {  	s30 =	sadd.s32 $0x40, s30;
	_ =	swait.ge [sflag:s24], $0x2000  }
0x59: {  	s31 =	sadd.s32 $0x200, s31;
	s0 =	smov.u32 s1;
	[sflag:s24] =	ssyncset.done $0x0  }
0x5a: {  	[sflag:s24] =	ssyncadd.s32 $0xFFFFE000  }
0x5b: {  	_ =	swait.ge [sflag:s25], $0x2000  }
0x5c: {  	[sflag:s25] =	ssyncset.done $0x0  }
0x5d: {  	s0 =	simm.s32 $0xC00;
	[sflag:s25] =	ssyncadd.s32 $0xFFFFE000  }
0x5e: {  	[tilespmem:s13], [sflag:$0x1] =	stream.indirect.gather [hbm4b:s2+s12], $0x80, s0, s12, $0xb8;
	[tilespmem:$0x9000] =	vst v63  }
0x5f: {  	s30 =	simm.s32 $0xC80  }
0x60: {  	[tilespmem:s14], [sflag:$0x2] =	stream.indirect.gather [hbm4b:s2+s12], $0x80, s30, s12, $0xb8;
	[tilespmem:$0x9000] =	vst v63  }
0x61: {  	_ =	swait.ge [sflag:s15], $0x2000  }
0x62: {  	[sflag:s15] =	ssyncset.done $0x0  }
0x63: {  	s31 =	rddreg [dreg:$0x4];
	[sflag:s15] =	ssyncadd.s32 $0xFFFFE000  }
0x64: {  	[hbm4b:s31+s16] =	stream.strided.scatter [tilespmem:s13], [sflag:$0x5], $0x2000, s13, s16, $0x38;
	[tilespmem:$0x9000] =	vst v63  }
0x65: {  	_ =	swait.ge [sflag:s18], $0x2000  }
0x66: {  	[sflag:s18] =	ssyncset.done $0x0  }
0x67: {  	s29 =	sadd.s32 $0x1, s29;
	[sflag:s18] =	ssyncadd.s32 $0xFFFFE000  }
0x68: {  	[hbm4b:s8+s16] =	stream.strided.scatter [tilespmem:s14], [sflag:$0x6], $0x2000, s13, s16, $0x38;
	[tilespmem:$0x9000] =	vst v63  }
0x69: {  	p0 =	sne.s32 s29, s9;
	_ =	swait.ge [sflag:s22], $0x2000  }
.Ltmp1:
0x6a: {  	[sflag:s22] =	ssyncset.done $0x0;
	(pc) =	sbr.rel @p0 .LBB2_1-.Ltmp1, $4  }
0x6b: {  	[sflag:s22] =	ssyncadd.s32 $0xFFFFE000  }
0x6c: {  	_ =	swait.ge [sflag:s23], $0x2000  }
0x6d: {  	[sflag:s23] =	ssyncset.done $0x0  }
0x6e: {  	[sflag:s23] =	ssyncadd.s32 $0xFFFFE000  }
0x6f: {  	_ =	sfence.sel $0x180000  }
0x70: {  	[bflag:$0x0] =	sbarrier.arrive $0xFFFF  }
0x71: {  	_ =	strace $0x9000004A  }
0x72: {  	s0 =	stileid.u32;
	[bflag:$0x2] =	sbarrier.arrive $0xFFFF  }
0x73: {  	p0 =	sne.s32 s0, $0x0;
	s0 =	rddreg [dreg:$0x2]  }
0x74: {  	s0 =	sadd.s32 @!p0 $0x100000, s0  }
0x75: {  	[sflag:s0] =	ssyncadd.tile.s32 @!p0 $0x1;
	_ =	shalt  }
.Lfunc_end2:
_tile_overlayer_lowered:
.L_overlay_start_2:
0x76: {  	(tag) =	ssettag $0x2  }
0x77: {  	s0 =	rddreg [dreg:$0x0];
	s2 =	stileid.u32  }
0x78: {  	s1 =	rddreg [dreg:$0x1];
	p0 =	sne.s32 s2, $0x0  }
0x79: {  	s3 =	rddreg [dreg:$0x2];
	[bflag:$0x3] =	sbarrier.arrive $0xFFFF;
	s2 =	simm.s32 @!p0 $0x1C09  }
0x7a: {  	[timem:s3], [sflag:s2] =	dma.local @!p0 [hbm:s0], s1  }
0x7b: {  	s0 =	simm.s32 @!p0 $0x9  }
0x7c: {  	_ =	swait.ge @!p0 [sflag:s0], s1  }
0x7d: {  	s1 =	ssub.s32 @!p0 $0x0, s1;
	[sflag:s0] =	ssyncset.done @!p0 $0x0  }
0x7e: {  	[sflag:s0] =	ssyncadd.s32 @!p0 s1  }
0x7f: {  	[bflag:$0x3] =	sbarrier.arrive $0xFFFF  }
0x80: {  	_ =	shalt  }

// kernel: kernel.7.cloned.1.call-start
scs
__scs_entry_jumppad:
0x0: {  	(pc) =	sbr.rel $0x88, $3  }
0x1: {  	(tag) =	ssettag $0x0;
	lr =	simm.s32 $0x1  }
0x2: {  	[smem:$0x3F8F] =	sst lr;
	_ =	strace $0xD0000000  }
0x3: {  	_ = 	snop  }
0x4: {  	_ = 	snop  }
0x5: {  	_ = 	snop  }
0x6: {  	_ = 	snop  }
0x7: {  	_ = 	snop  }
__scs_overlays_trampoline_lowered:
0x8: {  	[smem:$0x3F9E] =	sst s0  }
0x9: {  	[smem:$0x3F9F] =	sst s1  }
0xa: {  	[smem:$0x3FA0] =	sst s2  }
0xb: {  	[smem:$0x3FA1] =	sst s3  }
0xc: {  	[smem:$0x3FA2] =	sst s4  }
0xd: {  	[smem:$0x3FA3] =	sst s5  }
0xe: {  	[smem:$0x3FA4] =	sst s6  }
0xf: {  	[smem:$0x3FA5] =	sst s7  }
0x10: {  	[smem:$0x3FA6] =	sst s8  }
0x11: {  	[smem:$0x3FA7] =	sst s9;
	s0 =	simm.s32 @!p0 $0x0  }
0x12: {  	s1 =	sld [smem:$0x3F8D];
	s0 =	simm.s32 @p0 $0x1  }
0x13: {  	[smem:$0x3FA8] =	sst s0;
	s0 =	simm.s32 @!p1 $0x0  }
0x14: {  	s2 =	sld [smem:$0x3F8C];
	s0 =	simm.s32 @p1 $0x1  }
0x15: {  	[smem:$0x3FA9] =	sst s0;
	s0 =	simm.s32 @!p2 $0x0  }
0x16: {  	s3 =	sld [smem:$0x3FDB];
	s0 =	simm.s32 @p2 $0x1  }
0x17: {  	s4 =	simm.s32 $0x1BF5;
	[smem:$0x3FAB] =	sst s0  }
0x18: {  	s0 =	sld [smem:$0x3F8E];
	_ =	swait.ge [sflag:s4], $0x0  }
0x19: {  	s7 =	sld [smem:$0x3F8F]  }
0x1a: {  	s8 =	sadd.s32 $0xFFFFE003, lr  }
0x1b: {  	s9 =	sadd.s32 $0xFFFFFEF7, lr;
	s5 =	simm.s32 $0xFFFFFFFF;
	p2 =	slt.u32 s8, $0xFFFFF086  }
0x1c: {  	p1 =	slt.u32 s9, $0xF7A;
	s5 =	simm.s32 @!p2 $0x0  }
0x1d: {  	s5 =	simm.s32 @p1 $0x1;
	p0 =	seq.s32 s7, s2  }
0x1e: {  	s7 =	smul.u32 @!p0 $0xF7A, s2;
	p2 =	seq.s32 @!p0 s5, $0x0  }
0x1f: {  	s9 =	smul.u32 $0xF7A, s1;
	s8 =	simm.s32 @!p0 $0x1BF5;
	p2 =	por !p2, p0  }
0x20: {  	[sflag:s8] =	ssyncset.s32 @!p0 $0xFFFFF086;
	s6 =	sadd.s32 @!p0 s3, s7;
	s7 =	simm.s32 @!p0 $0x108  }
0x21: {  	s3 =	sadd.s32 s3, s9;
	s6 =	sadd.s32 @!p0 $0x88, s6;
	s7 =	simm.s32 @p2 $0x1082  }
0x22: {  	[simem:s7], [sflag:s8] =	dma.local @!p0 [hbm:s6], $0xF7A  }
0x23: {  	s9 =	sor.u32 $0xD0000000, s2;
	s6 =	simm.s32 $0x108;
	_ =	swait.ge @!p0 [sflag:s8], $0x0  }
0x24: {  	s3 =	sadd.s32 $0x88, s3;
	s6 =	simm.s32 @!p1 $0x1082;
	[sflag:s4] =	ssyncset.s32 $0xFFFFF086  }
0x25: {  	[simem:s6], [sflag:s4] =	dma.local [hbm:s3], $0xF7A  }
0x26: {  	[smem:$0x3F8F] =	sst s1;
	(tag) =	ssettag s2;
	_ =	strace s9  }
0x27: {  	s1 =	sld [smem:$0x3F9F]  }
0x28: {  	s2 =	sld [smem:$0x3FA0]  }
0x29: {  	s4 =	sld [smem:$0x3FA2]  }
0x2a: {  	p0 =	seq.s32 s5, $0x0;
	s5 =	sld [smem:$0x3FA3]  }
0x2b: {  	s6 =	sld [smem:$0x3FA4]  }
0x2c: {  	s7 =	sld [smem:$0x3FA5]  }
0x2d: {  	s3 =	simm.s32 $0x108;
	s8 =	sld [smem:$0x3FA6]  }
0x2e: {  	s3 =	simm.s32 @!p0 $0x1082;
	s9 =	sld [smem:$0x3FA7]  }
0x2f: {  	lr =	sadd.s32 s0, s3;
	s0 =	sld [smem:$0x3F9E]  }
0x30: {  	s3 =	sld [smem:$0x3FA1]  }
0x31: {  	[smem:$0x3FAA] =	sst s10  }
0x32: {  	s10 =	sld [smem:$0x3FA8];
	_ =	sdelay $0x3  }
0x33: {  	p0 =	seq.s32 s10, $0x1;
	s10 =	sld [smem:$0x3FAA];
	_ =	sdelay $0x3  }
0x34: {  	[smem:$0x3FAA] =	sst s10  }
0x35: {  	s10 =	sld [smem:$0x3FA9];
	_ =	sdelay $0x3  }
0x36: {  	p1 =	seq.s32 s10, $0x1;
	s10 =	sld [smem:$0x3FAA];
	_ =	sdelay $0x3  }
0x37: {  	[smem:$0x3FAA] =	sst s10  }
0x38: {  	s10 =	sld [smem:$0x3FAB]  }
0x39: {  	_ = 	snop;
	(pc) =	sbr.ind lr, $3  }
0x3a: {  	_ = 	snop  }
0x3b: {  	_ = 	snop  }
0x3c: {  	p2 =	seq.s32 s10, $0x1;
	s10 =	sld [smem:$0x3FAA]  }
0x3d: {  	_ =	shalt  }
0x3e: {  	_ =	shalt  }
0x3f: {  	_ =	shalt  }
0x40: {  	_ =	shalt  }
0x41: {  	_ =	shalt  }
0x42: {  	_ =	shalt  }
0x43: {  	_ =	shalt  }
0x44: {  	_ =	shalt  }
0x45: {  	_ =	shalt  }
0x46: {  	_ =	shalt  }
0x47: {  	_ =	shalt  }
0x48: {  	_ =	shalt  }
0x49: {  	_ =	shalt  }
0x4a: {  	_ =	shalt  }
0x4b: {  	_ =	shalt  }
0x4c: {  	_ =	shalt  }
0x4d: {  	_ =	shalt  }
0x4e: {  	_ =	shalt  }
0x4f: {  	_ =	shalt  }
0x50: {  	_ =	shalt  }
0x51: {  	_ =	shalt  }
0x52: {  	_ =	shalt  }
0x53: {  	_ =	shalt  }
0x54: {  	_ =	shalt  }
0x55: {  	_ =	shalt  }
0x56: {  	_ =	shalt  }
0x57: {  	_ =	shalt  }
0x58: {  	_ =	shalt  }
0x59: {  	_ =	shalt  }
0x5a: {  	_ =	shalt  }
0x5b: {  	_ =	shalt  }
0x5c: {  	_ =	shalt  }
0x5d: {  	_ =	shalt  }
0x5e: {  	_ =	shalt  }
0x5f: {  	_ =	shalt  }
0x60: {  	_ =	shalt  }
0x61: {  	_ =	shalt  }
0x62: {  	_ =	shalt  }
0x63: {  	_ =	shalt  }
0x64: {  	_ =	shalt  }
0x65: {  	_ =	shalt  }
0x66: {  	_ =	shalt  }
0x67: {  	_ =	shalt  }
0x68: {  	_ =	shalt  }
0x69: {  	_ =	shalt  }
0x6a: {  	_ =	shalt  }
0x6b: {  	_ =	shalt  }
0x6c: {  	_ =	shalt  }
0x6d: {  	_ =	shalt  }
0x6e: {  	_ =	shalt  }
0x6f: {  	_ =	shalt  }
0x70: {  	_ =	shalt  }
0x71: {  	_ =	shalt  }
0x72: {  	_ =	shalt  }
0x73: {  	_ =	shalt  }
0x74: {  	_ =	shalt  }
0x75: {  	_ =	shalt  }
0x76: {  	_ =	shalt  }
0x77: {  	_ =	shalt  }
0x78: {  	_ =	shalt  }
0x79: {  	_ =	shalt  }
0x7a: {  	_ =	shalt  }
0x7b: {  	_ =	shalt  }
0x7c: {  	_ =	shalt  }
0x7d: {  	_ =	shalt  }
0x7e: {  	_ =	shalt  }
0x7f: {  	_ =	shalt  }
0x80: {  	_ =	shalt  }
0x81: {  	_ =	shalt  }
0x82: {  	_ =	shalt  }
0x83: {  	_ =	shalt  }
0x84: {  	_ =	shalt  }
0x85: {  	_ =	shalt  }
0x86: {  	_ =	shalt  }
0x87: {  	_ =	shalt  }
.Lfunc_end0:
.L_simem_size_0:
called_computation_lowered:
.L_overlay_start_0:
0x88: {  	s2 =	sld [smem:$0x3FD9]  }
0x89: {  	s3 =	sld [smem:$0x3FFE];
	_ =	sdelay $0x1  }
0x8a: {  	s1 =	srdreg.scid  }
0x8b: {  	s0 =	sand.u32 $0x1, s1  }
0x8c: {  	s17 =	sshll.u32 s0, $0xA;
	s2 =	sadd.s32 s3, s2  }
0x8d: {  	s2 =	sadd.s32 s2, s17  }
0x8e: {  	[smem:$0x3FB6] =	sst s2  }
0x8f: {  	_ = 	snop  }
0x90: {  	s2 =	sld [smem:$0x3FC8];
	(tm) =	ssettm $0x1  }
0x91: {  	s18 =	sld [smem:$0x3FFB];
	_ =	sdelay $0x3  }
0x92: {  	_ =	strace s18  }
0x93: {  	s3 =	sld [smem:$0x3FFC];
	_ =	sdelay $0x3  }
0x94: {  	_ =	strace s3  }
0x95: {  	s3 =	sld [smem:$0x3FFD];
	_ =	sdelay $0x3  }
0x96: {  	_ =	strace s3  }
0x97: {  	_ =	strace $0x8FFFFFFF  }
0x98: {  	s19 =	sld [smem:$0x3FDB];
	_ =	sdelay $0x1  }
0x99: {  	s4 =	simm.s32 $_scs_section_size  }
0x9a: {  	s5 =	simm.s32 $_size__tile_overlayer_lowered;
	s6 =	simm.s32 $_tile_overlayer_lowered  }
0x9b: {  	s22 =	simm.s32 $0x1BFF;
	s21 =	sshll.u32 s6, $0x1;
	s3 =	sadd.s32 s4, s19  }
0x9c: {  	s7 =	simm.s32 $0x0;
	s20 =	sshll.u32 s5, $0x1;
	s5 =	sadd.s32 s21, s3  }
0x9d: {  	[timem:s7], [sflag:s22] =	dma.local [hbm:s5], s20  }
0x9e: {  	_ =	swait.ge [sflag:s22], s20  }
0x9f: {  	s4 =	ssub.s32 $0x0, s20;
	[sflag:s22] =	ssyncset.done $0x0  }
0xa0: {  	[sflag:s22] =	ssyncadd.s32 s4;
	_ =	sdelay $0x1  }
0xa1: {  	s23 =	simm.s32 $0x1B8B  }
0xa2: {  	_ =	swait.ge [sflag:s23], $0x1  }
0xa3: {  	[sflag:s23] =	ssyncset.done $0x0  }
0xa4: {  	s25 =	simm.s32 $0x1B8E;
	s24 =	sld [smem:$0x3FFE];
	[sflag:s23] =	ssyncadd.s32 $0xFFFFFFFF  }
0xa5: {  	s26 =	simm.s32 $execute0_lowered;
	[smem:$0x3FD2] =	sst s25  }
0xa6: {  	s5 =	sshll.u32 s26, $0x1;
	_ =	strace $0x80000046;
	[dreg:$0x1] =	wrdreg $0xFFFFFFFF  }
0xa7: {  	s28 =	simm.s32 $_size_execute0_lowered;
	s3 =	sadd.s32 s3, s5;
	[dreg:$0x0] =	wrdreg $0x0  }
0xa8: {  	s5 =	sshll.u32 s28, $0x1;
	[dreg:$0x2] =	wrdreg s3  }
0xa9: {  	[dreg:$0x3] =	wrdreg s5  }
0xaa: {  	[dreg:$0x4] =	wrdreg $0xC0  }
0xab: {  	_ =	task [dreg:s7], $0x5FFFF  }
0xac: {  	[dreg:$0x1] =	wrdreg $0xFFFFFFFF  }
0xad: {  	[dreg:$0x0] =	wrdreg $0x60  }
0xae: {  	[dreg:$0x2] =	wrdreg s2  }
0xaf: {  	[dreg:$0x3] =	wrdreg s24  }
0xb0: {  	[dreg:$0x4] =	wrdreg $0x9  }
0xb1: {  	_ =	task.clear_ibuf [dreg:s7], $0x5FFFF;
	_ =	strace $0x90000046  }
0xb2: {  	s29 =	simm.s32 $0x9;
	_ =	strace $0x80000048  }
0xb3: {  	_ =	swait.ge [sflag:s29], $0x1  }
0xb4: {  	[sflag:s29] =	ssyncadd.s32 $0xFFFFFFFF  }
0xb5: {  	_ =	strace $0x90000048  }
0xb6: {  	_ =	sfence  }
0xb7: {  	s30 =	sld [smem:$0x0];
	_ =	sdelay $0x2  }
0xb8: {  	s31 =	sshll.u32 s1, $0xD;
	s1 =	sshrl.u32 s1, $0x2  }
0xb9: {  	s3 =	sand.u32 $0x4000, s31;
	s1 =	sadd.s32 s1, s30  }
0xba: {  	s0 =	sor.u32 s3, s0;
	s1 =	sshll.u32 s1, $0x11  }
0xbb: {  	s0 =	sor.u32 s1, s0  }
0xbc: {  	s0 =	sadd.s32 $0x8F2B, s0  }
0xbd: {  	[sflag:s0] =	ssyncadd.remote.s32 $0x1  }
0xbe: {  	_ =	sfence.sel $0xFFFF  }
0xbf: {  	[dreg:$0x0] =	wrdreg $0xFFFFFFFF;
	(pc) =	sbr.abs _section_cstart, $3  }
0xc0: {  	[dreg:$0x1] =	wrdreg $0xFFFFFFFF  }
0xc1: {  	_ =	task.clear_ibuf [dreg:s7], $0x2FFFF;
	_ =	strace $0x9FFFFFFF  }
0xc2: {  	(tm) =	ssettm $0x7FFFFFFF  }
0xc3: {  	_ =	shalt  }
tec
execute0_lowered:
.L_overlay_start_1:
0x0: {  	(tag) =	ssettag $0x1  }
0x1: {  	s2 =	rddreg [dreg:$0x0]  }
0x2: {  	s0 =	rddreg [dreg:$0x1]  }
0x3: {  	s1 =	srdreg.scid;
	s9 =	stileid.u32  }
0x4: {  	s3 =	simm.s32 $0x0;
	s11 =	simm.s32 $0x9;
	s12 =	simm.s32 $0x40  }
0x5: {  	s13 =	simm.s32 $0x1000;
	s14 =	simm.s32 $0x3000;
	s15 =	simm.s32 $0x1  }
0x6: {  	s16 =	simm.s32 $0x80;
	s17 =	simm.s32 $0x5000;
	s18 =	simm.s32 $0x2  }
0x7: {  	s19 =	simm.s32 $0x7000;
	s20 =	simm.s32 $0x3;
	s21 =	simm.s32 $0x4  }
0x8: {  	s22 =	simm.s32 $0x5;
	s23 =	simm.s32 $0x6;
	s24 =	simm.s32 $0x7  }
0x9: {  	s29 =	simm.s32 $0x0;
	s1 =	sand.u32 $0x1, s1;
	s4 =	sshll.u32 s9, $0x1  }
0xa: {  	[smem:$0x7FF] =	sst s3;
	s9 =	sshll.u32 s9, $0x13;
	s6 =	sor.u32 s1, s4  }
0xb: {  	s5 =	ssub.s32 $0x2, s1;
	_ =	strace $0x80000047;
	s1 =	sshll.u32 s1, $0x12  }
0xc: {  	s4 =	sshll.u32 s6, $0x9;
	s7 =	sshrl.u32 s5, $0x1;
	s26 =	sshll.u32 s6, $0xF  }
0xd: {  	s1 =	sor.u32 s1, s9;
	s6 =	sshll.u32 s6, $0x12;
	s8 =	sadd.s32 s4, s0  }
0xe: {  	s4 =	sadd.s32 $0xB000, s0;
	s25 =	ssub.s32 s5, s7;
	s1 =	sshrl.u32 s1, $0x3  }
0xf: {  	s28 =	sadd.s32 $0x3000, s8;
	s30 =	sadd.s32 s26, s4;
	s9 =	smax.u32 s25, $0x1  }
0x10: {  	s10 =	sadd.s32 s1, s4;
	[dreg:$0x3] =	wrdreg s28;
	s31 =	sadd.s32 $0x180, s30  }
0x11: {  	s25 =	simm.s32 $0x8;
	s8 =	sadd.s32 $0x190, s30;
	[dreg:$0x4] =	wrdreg s31  }
.LBB2_1:
0x12: {  	s0 =	rddreg [dreg:$0x3]  }
0x13: {  	[tilespmem:s3], [sflag:$0x9] =	stream.linear.gather [hbm4b:s0+s3], $0xD00, $0x38;
	[tilespmem:$0x9000] =	vst v63  }
0x14: {  	_ =	swait.ge [sflag:s11], $0xD00  }
0x15: {  	[sflag:s11] =	ssyncset.done $0x0  }
0x16: {  	[sflag:s11] =	ssyncadd.s32 $0xFFFFF300  }
0x17: {  	[tilespmem:s13], [sflag:$0x1] =	stream.indirect.gather [hbm4b:s2+s12], $0x80, s3, s12, $0xb8;
	[tilespmem:$0x9000] =	vst v63  }
0x18: {  	s5 =	simm.s32 $0x80  }
0x19: {  	[tilespmem:s14], [sflag:$0x2] =	stream.indirect.gather [hbm4b:s2+s12], $0x80, s5, s12, $0xb8;
	[tilespmem:$0x9000] =	vst v63  }
0x1a: {  	_ =	swait.ge [sflag:s15], $0x2000  }
0x1b: {  	s7 =	simm.s32 $0x80;
	[sflag:s15] =	ssyncset.done $0x0  }
0x1c: {  	s0 =	sand.u32 $0x280, s7;
	[sflag:s15] =	ssyncadd.s32 $0xFFFFE000  }
0x1d: {  	[hbm4b:s10+s16] =	stream.strided.scatter [tilespmem:s13], [sflag:$0x5], $0x2000, s13, s16, $0x38;
	[tilespmem:$0x9000] =	vst v63  }
0x1e: {  	s1 =	simm.s32 $0x100;
	s30 =	sand.u32 $0xC00, s3;
	s0 =	sor.u32 s0, s6  }
0x1f: {  	[tilespmem:s17], [sflag:$0x3] =	stream.indirect.gather [hbm4b:s2+s12], $0x80, s1, s12, $0xb8;
	[tilespmem:$0x9000] =	vst v63  }
0x20: {  	s0 =	sor.u32 s30, s0;
	_ =	swait.ge [sflag:s18], $0x2000  }
0x21: {  	s26 =	simm.s32 $0x100;
	s0 =	sshrl.u32 s0, $0x3;
	[sflag:s18] =	ssyncset.done $0x0  }
0x22: {  	s0 =	sadd.s32 s4, s0;
	s1 =	sand.u32 $0x300, s26;
	[sflag:s18] =	ssyncadd.s32 $0xFFFFE000  }
0x23: {  	[hbm4b:s0+s16] =	stream.strided.scatter [tilespmem:s14], [sflag:$0x6], $0x2000, s13, s16, $0x38;
	[tilespmem:$0x9000] =	vst v63  }
0x24: {  	s28 =	simm.s32 $0x180;
	s1 =	sor.u32 s1, s6  }
0x25: {  	[tilespmem:s19], [sflag:$0x4] =	stream.indirect.gather [hbm4b:s2+s12], $0x80, s28, s12, $0xb8;
	[tilespmem:$0x9000] =	vst v63  }
0x26: {  	s1 =	sor.u32 s30, s1;
	_ =	swait.ge [sflag:s20], $0x2000  }
0x27: {  	s1 =	sshrl.u32 s1, $0x3;
	s0 =	sand.u32 $0x380, s28;
	[sflag:s20] =	ssyncset.done $0x0  }
0x28: {  	s1 =	sadd.s32 s4, s1;
	s0 =	sor.u32 s0, s6;
	[sflag:s20] =	ssyncadd.s32 $0xFFFFE000  }
0x29: {  	[hbm4b:s1+s16] =	stream.strided.scatter [tilespmem:s17], [sflag:$0x7], $0x2000, s13, s16, $0x38;
	[tilespmem:$0x9000] =	vst v63  }
0x2a: {  	s0 =	sor.u32 s30, s0;
	_ =	swait.ge [sflag:s21], $0x2000  }
0x2b: {  	s0 =	sshrl.u32 s0, $0x3;
	[sflag:s21] =	ssyncset.done $0x0  }
0x2c: {  	s0 =	sadd.s32 s4, s0;
	[sflag:s21] =	ssyncadd.s32 $0xFFFFE000  }
0x2d: {  	[hbm4b:s0+s16] =	stream.strided.scatter [tilespmem:s19], [sflag:$0x8], $0x2000, s13, s16, $0x38;
	[tilespmem:$0x9000] =	vst v63  }
0x2e: {  	_ =	swait.ge [sflag:s22], $0x2000  }
0x2f: {  	[sflag:s22] =	ssyncset.done $0x0  }
0x30: {  	[sflag:s22] =	ssyncadd.s32 $0xFFFFE000  }
0x31: {  	_ =	swait.ge [sflag:s23], $0x2000  }
0x32: {  	[sflag:s23] =	ssyncset.done $0x0  }
0x33: {  	[sflag:s23] =	ssyncadd.s32 $0xFFFFE000  }
0x34: {  	s31 =	simm.s32 $0x200;
	_ =	swait.ge [sflag:s24], $0x2000  }
0x35: {  	s30 =	sadd.s32 $0x40, s10;
	s0 =	simm.s32 $0x200;
	[sflag:s24] =	ssyncset.done $0x0  }
.LBB2_2:
0x36: {  	s26 =	sadd.s32 $0x180, s0  }
0x37: {  	[sflag:s24] =	ssyncadd.s32 $0xFFFFE000;
	s28 =	smov.u32 s0;
	s1 =	sadd.s32 $0x200, s0  }
0x38: {  	p0 =	sne.s32 s0, $0xA00;
	s26 =	sand.u32 $0x380, s26;
	_ =	swait.ge [sflag:s25], $0x2000  }
0x39: {  	s0 =	sor.u32 s26, s6;
	[sflag:s25] =	ssyncset.done $0x0  }
0x3a: {  	[sflag:s25] =	ssyncadd.s32 $0xFFFFE000  }
0x3b: {  	[tilespmem:s13], [sflag:$0x1] =	stream.indirect.gather [hbm4b:s2+s12], $0x80, s31, s12, $0xb8;
	[tilespmem:$0x9000] =	vst v63  }
0x3c: {  	s5 =	sadd.s32 $0x80, s28;
	s26 =	sadd.s32 $0x80, s31  }
0x3d: {  	[tilespmem:s14], [sflag:$0x2] =	stream.indirect.gather [hbm4b:s2+s12], $0x80, s26, s12, $0xb8;
	[tilespmem:$0x9000] =	vst v63  }
0x3e: {  	s5 =	sand.u32 $0x280, s5;
	s26 =	sadd.s32 $0x100, s31;
	_ =	swait.ge [sflag:s15], $0x2000  }
0x3f: {  	s7 =	sand.u32 $0xC00, s28;
	s5 =	sor.u32 s5, s6;
	[sflag:s15] =	ssyncset.done $0x0  }
0x40: {  	s0 =	sor.u32 s7, s0;
	s5 =	sor.u32 s7, s5;
	[sflag:s15] =	ssyncadd.s32 $0xFFFFE000  }
0x41: {  	[hbm4b:s30+s16] =	stream.strided.scatter [tilespmem:s13], [sflag:$0x5], $0x2000, s13, s16, $0x38;
	[tilespmem:$0x9000] =	vst v63  }
0x42: {  	s0 =	sshrl.u32 s0, $0x3;
	s5 =	sshrl.u32 s5, $0x3  }
0x43: {  	[tilespmem:s17], [sflag:$0x3] =	stream.indirect.gather [hbm4b:s2+s12], $0x80, s26, s12, $0xb8;
	[tilespmem:$0x9000] =	vst v63  }
0x44: {  	s5 =	sadd.s32 s4, s5;
	s26 =	sadd.s32 $0x100, s28;
	_ =	swait.ge [sflag:s18], $0x2000  }
0x45: {  	s28 =	sadd.s32 $0x180, s31;
	s26 =	sand.u32 $0x300, s26;
	[sflag:s18] =	ssyncset.done $0x0  }
0x46: {  	s26 =	sor.u32 s26, s6;
	[sflag:s18] =	ssyncadd.s32 $0xFFFFE000  }
0x47: {  	[hbm4b:s5+s16] =	stream.strided.scatter [tilespmem:s14], [sflag:$0x6], $0x2000, s13, s16, $0x38;
	[tilespmem:$0x9000] =	vst v63  }
0x48: {  	s5 =	sor.u32 s7, s26  }
0x49: {  	[tilespmem:s19], [sflag:$0x4] =	stream.indirect.gather [hbm4b:s2+s12], $0x80, s28, s12, $0xb8;
	[tilespmem:$0x9000] =	vst v63  }
0x4a: {  	s5 =	sshrl.u32 s5, $0x3;
	_ =	swait.ge [sflag:s20], $0x2000  }
0x4b: {  	s5 =	sadd.s32 s4, s5;
	[sflag:s20] =	ssyncset.done $0x0  }
0x4c: {  	[sflag:s20] =	ssyncadd.s32 $0xFFFFE000  }
0x4d: {  	[hbm4b:s5+s16] =	stream.strided.scatter [tilespmem:s17], [sflag:$0x7], $0x2000, s13, s16, $0x38;
	[tilespmem:$0x9000] =	vst v63  }
0x4e: {  	_ =	swait.ge [sflag:s21], $0x2000  }
0x4f: {  	s0 =	sadd.s32 s4, s0;
	[sflag:s21] =	ssyncset.done $0x0  }
0x50: {  	[sflag:s21] =	ssyncadd.s32 $0xFFFFE000  }
0x51: {  	[hbm4b:s0+s16] =	stream.strided.scatter [tilespmem:s19], [sflag:$0x8], $0x2000, s13, s16, $0x38;
	[tilespmem:$0x9000] =	vst v63  }
0x52: {  	_ =	swait.ge [sflag:s22], $0x2000  }
0x53: {  	[sflag:s22] =	ssyncset.done $0x0  }
0x54: {  	[sflag:s22] =	ssyncadd.s32 $0xFFFFE000  }
.Ltmp0:
0x55: {  	_ =	swait.ge [sflag:s23], $0x2000;
	(pc) =	sbr.rel @p0 .LBB2_2-.Ltmp0, $4  }
0x56: {  	[sflag:s23] =	ssyncset.done $0x0  }
0x57: {  	[sflag:s23] =	ssyncadd.s32 $0xFFFFE000  }
0x58: {  	s30 =	sadd.s32 $0x40, s30;
	_ =	swait.ge [sflag:s24], $0x2000  }
0x59: {  	s31 =	sadd.s32 $0x200, s31;
	s0 =	smov.u32 s1;
	[sflag:s24] =	ssyncset.done $0x0  }
0x5a: {  	[sflag:s24] =	ssyncadd.s32 $0xFFFFE000  }
0x5b: {  	_ =	swait.ge [sflag:s25], $0x2000  }
0x5c: {  	[sflag:s25] =	ssyncset.done $0x0  }
0x5d: {  	s0 =	simm.s32 $0xC00;
	[sflag:s25] =	ssyncadd.s32 $0xFFFFE000  }
0x5e: {  	[tilespmem:s13], [sflag:$0x1] =	stream.indirect.gather [hbm4b:s2+s12], $0x80, s0, s12, $0xb8;
	[tilespmem:$0x9000] =	vst v63  }
0x5f: {  	s30 =	simm.s32 $0xC80  }
0x60: {  	[tilespmem:s14], [sflag:$0x2] =	stream.indirect.gather [hbm4b:s2+s12], $0x80, s30, s12, $0xb8;
	[tilespmem:$0x9000] =	vst v63  }
0x61: {  	_ =	swait.ge [sflag:s15], $0x2000  }
0x62: {  	[sflag:s15] =	ssyncset.done $0x0  }
0x63: {  	s31 =	rddreg [dreg:$0x4];
	[sflag:s15] =	ssyncadd.s32 $0xFFFFE000  }
0x64: {  	[hbm4b:s31+s16] =	stream.strided.scatter [tilespmem:s13], [sflag:$0x5], $0x2000, s13, s16, $0x38;
	[tilespmem:$0x9000] =	vst v63  }
0x65: {  	_ =	swait.ge [sflag:s18], $0x2000  }
0x66: {  	[sflag:s18] =	ssyncset.done $0x0  }
0x67: {  	s29 =	sadd.s32 $0x1, s29;
	[sflag:s18] =	ssyncadd.s32 $0xFFFFE000  }
0x68: {  	[hbm4b:s8+s16] =	stream.strided.scatter [tilespmem:s14], [sflag:$0x6], $0x2000, s13, s16, $0x38;
	[tilespmem:$0x9000] =	vst v63  }
0x69: {  	p0 =	sne.s32 s29, s9;
	_ =	swait.ge [sflag:s22], $0x2000  }
.Ltmp1:
0x6a: {  	[sflag:s22] =	ssyncset.done $0x0;
	(pc) =	sbr.rel @p0 .LBB2_1-.Ltmp1, $4  }
0x6b: {  	[sflag:s22] =	ssyncadd.s32 $0xFFFFE000  }
0x6c: {  	_ =	swait.ge [sflag:s23], $0x2000  }
0x6d: {  	[sflag:s23] =	ssyncset.done $0x0  }
0x6e: {  	[sflag:s23] =	ssyncadd.s32 $0xFFFFE000  }
0x6f: {  	_ =	sfence.sel $0x180000  }
0x70: {  	[bflag:$0x0] =	sbarrier.arrive $0xFFFF  }
0x71: {  	_ =	strace $0x90000047  }
0x72: {  	s0 =	stileid.u32;
	[bflag:$0x2] =	sbarrier.arrive $0xFFFF  }
0x73: {  	p0 =	sne.s32 s0, $0x0;
	s0 =	rddreg [dreg:$0x2]  }
0x74: {  	s0 =	sadd.s32 @!p0 $0x100000, s0  }
0x75: {  	[sflag:s0] =	ssyncadd.tile.s32 @!p0 $0x1;
	_ =	shalt  }
.Lfunc_end2:
_tile_overlayer_lowered:
.L_overlay_start_2:
0x76: {  	(tag) =	ssettag $0x2  }
0x77: {  	s0 =	rddreg [dreg:$0x0];
	s2 =	stileid.u32  }
0x78: {  	s1 =	rddreg [dreg:$0x1];
	p0 =	sne.s32 s2, $0x0  }
0x79: {  	s3 =	rddreg [dreg:$0x2];
	[bflag:$0x3] =	sbarrier.arrive $0xFFFF;
	s2 =	simm.s32 @!p0 $0x1C09  }
0x7a: {  	[timem:s3], [sflag:s2] =	dma.local @!p0 [hbm:s0], s1  }
0x7b: {  	s0 =	simm.s32 @!p0 $0x9  }
0x7c: {  	_ =	swait.ge @!p0 [sflag:s0], s1  }
0x7d: {  	s1 =	ssub.s32 @!p0 $0x0, s1;
	[sflag:s0] =	ssyncset.done @!p0 $0x0  }
0x7e: {  	[sflag:s0] =	ssyncadd.s32 @!p0 s1  }
0x7f: {  	[bflag:$0x3] =	sbarrier.arrive $0xFFFF  }
0x80: {  	_ =	shalt  }

</sc_bundles>
